<compile_context>
chip_gen: v7x
topology: tpu7x:2x2x1
jax: 0.10.2.dev20260603
libtpu: 0.0.44.dev20260713+nightly
codegen_flags: <defaults>
</compile_context>

<pallas_src>
import functools

import jax
import jax.numpy as jnp
import numpy as np
from jax import lax
from jax.experimental import pallas as pl
from jax.experimental.pallas import tpu as pltpu
from jax.experimental.pallas import tpu_sc as plsc

N = 16384
EMB = 128
H2 = 512
OUT = 256
NW = 32
RPW = N // NW
IDX_W = 128
CHUNKS = RPW // IDX_W
SCL = 16
BLK = 4096

_sc_mesh = plsc.VectorSubcoreMesh(core_axis_name="c", subcore_axis_name="s")


VOCAB = 1000
EMBW = EMB // 2


@functools.partial(
    pl.kernel,
    mesh=_sc_mesh,
    out_type=(
        jax.ShapeDtypeStruct((N, EMBW), jnp.int32),
        jax.ShapeDtypeStruct((N, EMBW), jnp.int32),
    ),
    scratch_types=[
        pltpu.VMEM((2, RPW), jnp.int32),
        pltpu.VMEM((4, IDX_W, EMBW), jnp.int32),
        pltpu.VMEM_SHARED((VOCAB, EMBW), jnp.int32),
        pltpu.VMEM_SHARED((VOCAB, EMBW), jnp.int32),
        pltpu.SemaphoreType.DMA,
        pltpu.SemaphoreType.DMA,
        pltpu.SemaphoreType.DMA,
        pltpu.SemaphoreType.DMA,
        pltpu.SemaphoreType.DMA,
        pltpu.SemaphoreType.DMA,
        pltpu.SemaphoreType.DMA,
        pltpu.SemaphoreType.DMA,
    ],
)
def _sc_gather(gtab, ktab, gidx, kidx, gout, kout, idx_v, ring, spm_g,
               spm_k, gs0, gs1, gs2, gs3, ss0, ss1, ss2, ss3):
    NBUF = 4
    NCH = 2 * CHUNKS
    gsems = (gs0, gs1, gs2, gs3)
    ssems = (ss0, ss1, ss2, ss3)
    sid = lax.axis_index("s")
    wid = sid * 2 + lax.axis_index("c")
    row0 = wid * RPW

    pltpu.sync_copy(gidx.at[pl.ds(row0, RPW)], idx_v.at[0])
    pltpu.sync_copy(kidx.at[pl.ds(row0, RPW)], idx_v.at[1])

    @pl.when(sid == 0)
    def _stage_g():
        pltpu.sync_copy(gtab, spm_g)

    @pl.when(sid == 1)
    def _stage_k():
        pltpu.sync_copy(ktab, spm_k)

    plsc.subcore_barrier()

    tabs = (spm_g, spm_k)
    outs = (gout, kout)
    gathers = [None] * NCH
    stores = [None] * NCH

    def fire_gather(i):
        t, j = divmod(i, CHUNKS)
        return pltpu.async_copy(
            tabs[t].at[idx_v.at[t, pl.ds(j * IDX_W, IDX_W)]],
            ring.at[i % NBUF],
            gsems[i % NBUF],
        )

    def fire_store(i):
        t, j = divmod(i, CHUNKS)
        return pltpu.async_copy(
            ring.at[i % NBUF],
            outs[t].at[pl.ds(row0 + j * IDX_W, IDX_W)],
            ssems[i % NBUF],
        )

    for i in range(NCH):
        if i >= NBUF:
            stores[i - NBUF].wait()
        gathers[i] = fire_gather(i)
        ii = i - (NBUF - 1)
        if ii >= 0:
            gathers[ii].wait()
            stores[ii] = fire_store(ii)
    for ii in range(NCH - (NBUF - 1), NCH):
        gathers[ii].wait()
        stores[ii] = fire_store(ii)
    for ii in range(NCH - NBUF, NCH):
        stores[ii].wait()


def _pack_tables_body(g_ref, k_ref, gw_ref, kw_ref):
    for src, dst in ((g_ref, gw_ref), (k_ref, kw_ref)):
        bits = lax.bitcast_convert_type(
            src[...].astype(jnp.bfloat16), jnp.int16
        )
        lo = bits[:, :EMBW].astype(jnp.int32) & jnp.int32(0xFFFF)
        hi = bits[:, EMBW:].astype(jnp.int32) << 16
        dst[...] = lo | hi


def _pack_tables(gtab, ktab):
    return pl.pallas_call(
        _pack_tables_body,
        out_shape=(
            jax.ShapeDtypeStruct((VOCAB, EMBW), jnp.int32),
            jax.ShapeDtypeStruct((VOCAB, EMBW), jnp.int32),
        ),
    )(gtab, ktab)


def _unpack_halves(x):
    bf = jnp.bfloat16
    lo = lax.bitcast_convert_type(x << 16, jnp.float32).astype(bf)
    hi = lax.bitcast_convert_type(
        x & jnp.int32(-65536), jnp.float32
    ).astype(bf)
    return lo, hi


def _mlp_body(g_ref, k_ref, w1_ref, w2_ref, b1_ref, b2_ref, o_ref):
    dnums = (((1,), (1,)), ((), ()))
    bf = jnp.bfloat16
    g_lo, g_hi = _unpack_halves(g_ref[...])
    k_lo, k_hi = _unpack_halves(k_ref[...])
    emb = jnp.concatenate([g_lo, g_hi, k_lo, k_hi], axis=1)
    h = lax.dot_general(
        emb, w1_ref[...].astype(bf), dnums, preferred_element_type=jnp.float32
    )
    h16 = jnp.maximum(h.astype(bf) + b1_ref[...].astype(bf), jnp.asarray(0, bf))
    o_ref[...] = (
        lax.dot_general(
            h16, w2_ref[...].astype(bf), dnums, preferred_element_type=jnp.float32
        )
        + b2_ref[...]
    )


def _mlp(gbuf, kbuf, w1, w2, b1, b2):
    return pl.pallas_call(
        _mlp_body,
        grid=(N // BLK,),
        in_specs=[
            pl.BlockSpec((BLK, EMBW), lambda i: (i, 0)),
            pl.BlockSpec((BLK, EMBW), lambda i: (i, 0)),
            pl.BlockSpec((H2, 2 * EMB), lambda i: (0, 0)),
            pl.BlockSpec((OUT, H2), lambda i: (0, 0)),
            pl.BlockSpec((1, H2), lambda i: (0, 0)),
            pl.BlockSpec((1, OUT), lambda i: (0, 0)),
        ],
        out_specs=pl.BlockSpec((BLK, OUT), lambda i: (i, 0)),
        out_shape=jax.ShapeDtypeStruct((N, OUT), jnp.float32),
        compiler_params=pltpu.CompilerParams(
            dimension_semantics=("parallel",)
        ),
    )(gbuf, kbuf, w1, w2, b1, b2)


def kernel(input_tensor, genre_table, key_table, W1, b1, W2, b2):
    g_idx = input_tensor[:, 0]
    k_idx = input_tensor[:, 1]
    gw, kw = _pack_tables(genre_table, key_table)
    gbuf, kbuf = _sc_gather(gw, kw, g_idx, k_idx)
    return _mlp(gbuf, kbuf, W1, W2, b1.reshape(1, H2), b2.reshape(1, OUT))

# --- scband reference (transcript-rebuilt; emitter-appended) ---
"""Pipeline reference for scband-header-embedding-model-for-gk-53111565583066 (READ-ONLY COPY).

The authoritative reference and input builder live on the scoring server;
editing this copy changes nothing except your own understanding.
"""

import jax, jax.numpy as jnp
import numpy as np

GENRE_VOCAB = 1000
KEY_VOCAB = 1000
EMB = 128
HID = 256
OUT = 256
N = 16384


def setup_inputs(seed: int = 0) -> dict:
    key = jax.random.key(seed)
    ks = jax.random.split(key, 8)
    input_tensor = jax.random.randint(ks[0], (N, 2), 0, GENRE_VOCAB, dtype=jnp.int32)
    genre_table = jax.random.normal(ks[1], (GENRE_VOCAB, EMB), dtype=jnp.float32)
    key_table = jax.random.normal(ks[2], (KEY_VOCAB, EMB), dtype=jnp.float32)
    # torch Linear weights are (out_features, in_features)
    W1 = jax.random.normal(ks[3], (HID * 2, EMB * 2), dtype=jnp.float32) * 0.02
    b1 = jnp.zeros((HID * 2,), dtype=jnp.float32)
    W2 = jax.random.normal(ks[4], (OUT, HID * 2), dtype=jnp.float32) * 0.02
    b2 = jnp.zeros((OUT,), dtype=jnp.float32)
    return {
        "input_tensor": input_tensor,
        "genre_table": genre_table,
        "key_table": key_table,
        "W1": W1,
        "b1": b1,
        "W2": W2,
        "b2": b2,
    }


def reference(input_tensor, genre_table, key_table, W1, b1, W2, b2):
    genre_emb = jnp.take(genre_table, input_tensor[:, 0], axis=0)
    key_emb = jnp.take(key_table, input_tensor[:, 1], axis=0)
    emb = jnp.concatenate([genre_emb, key_emb], axis=1)
    h = jax.nn.relu(emb @ W1.T + b1)
    out = h @ W2.T + b2
    return out

if __name__ == "__main__":
    import jax
    _d = setup_inputs()
    print(jax.jit(kernel)(*tuple(_d.values())))

</pallas_src>

<mosaic_0001>
#map = affine_map<(d0, d1) -> (0, 0)>
#map1 = affine_map<(d0, d1) -> (0)>
module attributes {stable_mosaic.version = 14 : i64} {
  func.func @_sc_gather(%arg0: i32, %arg1: i32, %arg2: memref<1000x64xi32, #tpu.memory_space<hbm>>, %arg3: memref<1000x64xi32, #tpu.memory_space<hbm>>, %arg4: memref<16384xi32, #tpu.memory_space<hbm>>, %arg5: memref<16384xi32, #tpu.memory_space<hbm>>, %arg6: memref<16384x64xi32, #tpu.memory_space<hbm>>, %arg7: memref<16384x64xi32, #tpu.memory_space<hbm>>, %arg8: memref<2x512xi32, #tpu.memory_space<vmem>>, %arg9: memref<4x128x64xi32, #tpu.memory_space<vmem>>, %arg10: memref<1000x64xi32, #tpu.memory_space<vmem_shared>>, %arg11: memref<1000x64xi32, #tpu.memory_space<vmem_shared>>, %arg12: memref<!tpu.dma_semaphore, #tpu.memory_space<semaphore_mem>>, %arg13: memref<!tpu.dma_semaphore, #tpu.memory_space<semaphore_mem>>, %arg14: memref<!tpu.dma_semaphore, #tpu.memory_space<semaphore_mem>>, %arg15: memref<!tpu.dma_semaphore, #tpu.memory_space<semaphore_mem>>, %arg16: memref<!tpu.dma_semaphore, #tpu.memory_space<semaphore_mem>>, %arg17: memref<!tpu.dma_semaphore, #tpu.memory_space<semaphore_mem>>, %arg18: memref<!tpu.dma_semaphore, #tpu.memory_space<semaphore_mem>>, %arg19: memref<!tpu.dma_semaphore, #tpu.memory_space<semaphore_mem>>) attributes {dimension_semantics = [#tpu.dimension_semantics<core_parallel>, #tpu.dimension_semantics<subcore_parallel>], iteration_bounds = array<i64: 2, 16>, scalar_prefetch = 0 : i64, scratch_operands = 12 : i64, tpu.core_type = #tpu.core_type<sc_vector_subcore>, window_params = [{transform_indices = #map}, {transform_indices = #map}, {transform_indices = #map1}, {transform_indices = #map1}, {transform_indices = #map}, {transform_indices = #map}]} {
    %mul3A = arith.constant 2 : i32
    %mul3A_0 = arith.muli %arg1, %mul3A : i32
    %add3A = arith.addi %mul3A_0, %arg0 : i32
    %mul3A_1 = arith.constant 512 : i32
    %mul3A_2 = arith.muli %add3A, %mul3A_1 : i32
    %run_scoped3A = arith.constant 0 : i32
    "tpu.region"() ({
      %run_scoped3A_425 = tpu.sem_alloc : memref<!tpu.dma_semaphore, #tpu.memory_space<semaphore_mem>>
      %dma_start3A_426 = arith.constant 0 : i32
      %dma_start3A_427 = tpu.memref_slice %arg8[%run_scoped3A, %dma_start3A_426] : memref<2x512xi32, #tpu.memory_space<vmem>> -> memref<1x512xi32, #tpu.memory_space<vmem>>
      %dma_start3A_428 = tpu.memref_squeeze %dma_start3A_427 : memref<1x512xi32, #tpu.memory_space<vmem>> -> memref<512xi32, #tpu.memory_space<vmem>>
      %dma_start3A_429 = tpu.memref_slice %arg4[%mul3A_2] : memref<16384xi32, #tpu.memory_space<hbm>> -> memref<512xi32, #tpu.memory_space<hbm>>
      %dma_start3A_430 = arith.constant 0 : i32
      %dma_start3A_431 = tpu.memref_slice %arg8[%run_scoped3A, %dma_start3A_430] : memref<2x512xi32, #tpu.memory_space<vmem>> -> memref<1x512xi32, #tpu.memory_space<vmem>>
      %dma_start3A_432 = tpu.memref_squeeze %dma_start3A_431 : memref<1x512xi32, #tpu.memory_space<vmem>> -> memref<512xi32, #tpu.memory_space<vmem>>
      %dma_start3A_433 = tpu.memref_slice %arg4[%mul3A_2] : memref<16384xi32, #tpu.memory_space<hbm>> -> memref<512xi32, #tpu.memory_space<hbm>>
      tpu.enqueue_dma source(%dma_start3A_433 : memref<512xi32, #tpu.memory_space<hbm>>) target(%dma_start3A_432 : memref<512xi32, #tpu.memory_space<vmem>>) target_semaphore(%run_scoped3A_425 : memref<!tpu.dma_semaphore, #tpu.memory_space<semaphore_mem>>)
      %dma_wait3A_434 = arith.constant 0 : i32
      %dma_wait3A_435 = tpu.memref_slice %arg8[%run_scoped3A, %dma_wait3A_434] : memref<2x512xi32, #tpu.memory_space<vmem>> -> memref<1x512xi32, #tpu.memory_space<vmem>>
      %dma_wait3A_436 = tpu.memref_squeeze %dma_wait3A_435 : memref<1x512xi32, #tpu.memory_space<vmem>> -> memref<512xi32, #tpu.memory_space<vmem>>
      %dma_wait3A_437 = tpu.memref_slice %arg4[%mul3A_2] : memref<16384xi32, #tpu.memory_space<hbm>> -> memref<512xi32, #tpu.memory_space<hbm>>
      %dma_wait3A_438 = arith.constant 0 : i32
      %dma_wait3A_439 = tpu.memref_slice %arg8[%run_scoped3A, %dma_wait3A_438] : memref<2x512xi32, #tpu.memory_space<vmem>> -> memref<1x512xi32, #tpu.memory_space<vmem>>
      %dma_wait3A_440 = tpu.memref_squeeze %dma_wait3A_439 : memref<1x512xi32, #tpu.memory_space<vmem>> -> memref<512xi32, #tpu.memory_space<vmem>>
      %dma_wait3A_441 = tpu.memref_slice %arg4[%mul3A_2] : memref<16384xi32, #tpu.memory_space<hbm>> -> memref<512xi32, #tpu.memory_space<hbm>>
      tpu.wait_dma2 semaphore(%run_scoped3A_425 : memref<!tpu.dma_semaphore, #tpu.memory_space<semaphore_mem>>) src(%dma_wait3A_441 : memref<512xi32, #tpu.memory_space<hbm>>) dst(%dma_wait3A_440 : memref<512xi32, #tpu.memory_space<vmem>>)
      tpu.yield
    }) : () -> ()
    %run_scoped3A_3 = arith.constant 1 : i32
    "tpu.region"() ({
      %run_scoped3A_425 = tpu.sem_alloc : memref<!tpu.dma_semaphore, #tpu.memory_space<semaphore_mem>>
      %dma_start3A_426 = arith.constant 0 : i32
      %dma_start3A_427 = tpu.memref_slice %arg8[%run_scoped3A_3, %dma_start3A_426] : memref<2x512xi32, #tpu.memory_space<vmem>> -> memref<1x512xi32, #tpu.memory_space<vmem>>
      %dma_start3A_428 = tpu.memref_squeeze %dma_start3A_427 : memref<1x512xi32, #tpu.memory_space<vmem>> -> memref<512xi32, #tpu.memory_space<vmem>>
      %dma_start3A_429 = tpu.memref_slice %arg5[%mul3A_2] : memref<16384xi32, #tpu.memory_space<hbm>> -> memref<512xi32, #tpu.memory_space<hbm>>
      %dma_start3A_430 = arith.constant 0 : i32
      %dma_start3A_431 = tpu.memref_slice %arg8[%run_scoped3A_3, %dma_start3A_430] : memref<2x512xi32, #tpu.memory_space<vmem>> -> memref<1x512xi32, #tpu.memory_space<vmem>>
      %dma_start3A_432 = tpu.memref_squeeze %dma_start3A_431 : memref<1x512xi32, #tpu.memory_space<vmem>> -> memref<512xi32, #tpu.memory_space<vmem>>
      %dma_start3A_433 = tpu.memref_slice %arg5[%mul3A_2] : memref<16384xi32, #tpu.memory_space<hbm>> -> memref<512xi32, #tpu.memory_space<hbm>>
      tpu.enqueue_dma source(%dma_start3A_433 : memref<512xi32, #tpu.memory_space<hbm>>) target(%dma_start3A_432 : memref<512xi32, #tpu.memory_space<vmem>>) target_semaphore(%run_scoped3A_425 : memref<!tpu.dma_semaphore, #tpu.memory_space<semaphore_mem>>)
      %dma_wait3A_434 = arith.constant 0 : i32
      %dma_wait3A_435 = tpu.memref_slice %arg8[%run_scoped3A_3, %dma_wait3A_434] : memref<2x512xi32, #tpu.memory_space<vmem>> -> memref<1x512xi32, #tpu.memory_space<vmem>>
      %dma_wait3A_436 = tpu.memref_squeeze %dma_wait3A_435 : memref<1x512xi32, #tpu.memory_space<vmem>> -> memref<512xi32, #tpu.memory_space<vmem>>
      %dma_wait3A_437 = tpu.memref_slice %arg5[%mul3A_2] : memref<16384xi32, #tpu.memory_space<hbm>> -> memref<512xi32, #tpu.memory_space<hbm>>
      %dma_wait3A_438 = arith.constant 0 : i32
      %dma_wait3A_439 = tpu.memref_slice %arg8[%run_scoped3A_3, %dma_wait3A_438] : memref<2x512xi32, #tpu.memory_space<vmem>> -> memref<1x512xi32, #tpu.memory_space<vmem>>
      %dma_wait3A_440 = tpu.memref_squeeze %dma_wait3A_439 : memref<1x512xi32, #tpu.memory_space<vmem>> -> memref<512xi32, #tpu.memory_space<vmem>>
      %dma_wait3A_441 = tpu.memref_slice %arg5[%mul3A_2] : memref<16384xi32, #tpu.memory_space<hbm>> -> memref<512xi32, #tpu.memory_space<hbm>>
      tpu.wait_dma2 semaphore(%run_scoped3A_425 : memref<!tpu.dma_semaphore, #tpu.memory_space<semaphore_mem>>) src(%dma_wait3A_441 : memref<512xi32, #tpu.memory_space<hbm>>) dst(%dma_wait3A_440 : memref<512xi32, #tpu.memory_space<vmem>>)
      tpu.yield
    }) : () -> ()
    %eq3A = arith.constant 0 : i32
    %eq3A_4 = arith.cmpi eq, %arg1, %eq3A : i32
    %convert_element_type3A = arith.extui %eq3A_4 : i1 to i32
    %cond3A = arith.constant 0 : i32
    %cond3A_5 = arith.cmpi ne, %convert_element_type3A, %cond3A : i32
    scf.if %cond3A_5 {
      "tpu.region"() ({
        %run_scoped3A_425 = tpu.sem_alloc : memref<!tpu.dma_semaphore, #tpu.memory_space<semaphore_mem>>
        tpu.enqueue_dma source(%arg2 : memref<1000x64xi32, #tpu.memory_space<hbm>>) target(%arg10 : memref<1000x64xi32, #tpu.memory_space<vmem_shared>>) target_semaphore(%run_scoped3A_425 : memref<!tpu.dma_semaphore, #tpu.memory_space<semaphore_mem>>)
        tpu.wait_dma2 semaphore(%run_scoped3A_425 : memref<!tpu.dma_semaphore, #tpu.memory_space<semaphore_mem>>) src(%arg2 : memref<1000x64xi32, #tpu.memory_space<hbm>>) dst(%arg10 : memref<1000x64xi32, #tpu.memory_space<vmem_shared>>)
        tpu.yield
      }) : () -> ()
    } else {
    }
    %eq3A_6 = arith.constant 1 : i32
    %eq3A_7 = arith.cmpi eq, %arg1, %eq3A_6 : i32
    %convert_element_type3A_8 = arith.extui %eq3A_7 : i1 to i32
    %cond3A_9 = arith.constant 0 : i32
    %cond3A_10 = arith.cmpi ne, %convert_element_type3A_8, %cond3A_9 : i32
    scf.if %cond3A_10 {
      "tpu.region"() ({
        %run_scoped3A_425 = tpu.sem_alloc : memref<!tpu.dma_semaphore, #tpu.memory_space<semaphore_mem>>
        tpu.enqueue_dma source(%arg3 : memref<1000x64xi32, #tpu.memory_space<hbm>>) target(%arg11 : memref<1000x64xi32, #tpu.memory_space<vmem_shared>>) target_semaphore(%run_scoped3A_425 : memref<!tpu.dma_semaphore, #tpu.memory_space<semaphore_mem>>)
        tpu.wait_dma2 semaphore(%run_scoped3A_425 : memref<!tpu.dma_semaphore, #tpu.memory_space<semaphore_mem>>) src(%arg3 : memref<1000x64xi32, #tpu.memory_space<hbm>>) dst(%arg11 : memref<1000x64xi32, #tpu.memory_space<vmem_shared>>)
        tpu.yield
      }) : () -> ()
    } else {
    }
    %barrier3A = arith.constant 0 : index
    tpu.barrier barrier_id(%barrier3A)
    %dma_start3A = arith.constant 0 : i32
    %dma_start3A_11 = arith.constant 0 : i32
    %dma_start3A_12 = arith.constant 0 : i32
    %dma_start3A_13 = arith.constant 0 : i32
    %dma_start3A_14 = tpu.memref_slice %arg9[%dma_start3A_11, %dma_start3A_12, %dma_start3A_13] : memref<4x128x64xi32, #tpu.memory_space<vmem>> -> memref<1x128x64xi32, #tpu.memory_space<vmem>>
    %dma_start3A_15 = tpu.memref_squeeze %dma_start3A_14 : memref<1x128x64xi32, #tpu.memory_space<vmem>> -> memref<128x64xi32, #tpu.memory_space<vmem>>
    %dma_start3A_16 = arith.constant 0 : i32
    %dma_start3A_17 = tpu.memref_slice %arg8[%dma_start3A, %dma_start3A_16] : memref<2x512xi32, #tpu.memory_space<vmem>> -> memref<1x128xi32, #tpu.memory_space<vmem>>
    %dma_start3A_18 = tpu.memref_squeeze %dma_start3A_17 : memref<1x128xi32, #tpu.memory_space<vmem>> -> memref<128xi32, #tpu.memory_space<vmem>>
    %dma_start3A_19 = arith.constant 0 : i32
    %dma_start3A_20 = arith.constant 0 : i32
    %dma_start3A_21 = tpu.memref_slice %arg10[%dma_start3A_19, %dma_start3A_20] : memref<1000x64xi32, #tpu.memory_space<vmem_shared>> -> memref<1000x64xi32, #tpu.memory_space<vmem_shared>>
    tpu.enqueue_indirect_dma source(%dma_start3A_21 : memref<1000x64xi32, #tpu.memory_space<vmem_shared>>) target(%dma_start3A_15 : memref<128x64xi32, #tpu.memory_space<vmem>>) offsets(%dma_start3A_18 : memref<128xi32, #tpu.memory_space<vmem>>) semaphore(%arg12 : memref<!tpu.dma_semaphore, #tpu.memory_space<semaphore_mem>>)
    %dma_start3A_22 = arith.constant 0 : i32
    %dma_start3A_23 = arith.constant 1 : i32
    %dma_start3A_24 = arith.constant 0 : i32
    %dma_start3A_25 = arith.constant 0 : i32
    %dma_start3A_26 = tpu.memref_slice %arg9[%dma_start3A_23, %dma_start3A_24, %dma_start3A_25] : memref<4x128x64xi32, #tpu.memory_space<vmem>> -> memref<1x128x64xi32, #tpu.memory_space<vmem>>
    %dma_start3A_27 = tpu.memref_squeeze %dma_start3A_26 : memref<1x128x64xi32, #tpu.memory_space<vmem>> -> memref<128x64xi32, #tpu.memory_space<vmem>>
    %dma_start3A_28 = arith.constant 128 : i32
    %dma_start3A_29 = tpu.memref_slice %arg8[%dma_start3A_22, %dma_start3A_28] : memref<2x512xi32, #tpu.memory_space<vmem>> -> memref<1x128xi32, #tpu.memory_space<vmem>>
    %dma_start3A_30 = tpu.memref_squeeze %dma_start3A_29 : memref<1x128xi32, #tpu.memory_space<vmem>> -> memref<128xi32, #tpu.memory_space<vmem>>
    %dma_start3A_31 = arith.constant 0 : i32
    %dma_start3A_32 = arith.constant 0 : i32
    %dma_start3A_33 = tpu.memref_slice %arg10[%dma_start3A_31, %dma_start3A_32] : memref<1000x64xi32, #tpu.memory_space<vmem_shared>> -> memref<1000x64xi32, #tpu.memory_space<vmem_shared>>
    tpu.enqueue_indirect_dma source(%dma_start3A_33 : memref<1000x64xi32, #tpu.memory_space<vmem_shared>>) target(%dma_start3A_27 : memref<128x64xi32, #tpu.memory_space<vmem>>) offsets(%dma_start3A_30 : memref<128xi32, #tpu.memory_space<vmem>>) semaphore(%arg13 : memref<!tpu.dma_semaphore, #tpu.memory_space<semaphore_mem>>)
    %dma_start3A_34 = arith.constant 0 : i32
    %dma_start3A_35 = arith.constant 2 : i32
    %dma_start3A_36 = arith.constant 0 : i32
    %dma_start3A_37 = arith.constant 0 : i32
    %dma_start3A_38 = tpu.memref_slice %arg9[%dma_start3A_35, %dma_start3A_36, %dma_start3A_37] : memref<4x128x64xi32, #tpu.memory_space<vmem>> -> memref<1x128x64xi32, #tpu.memory_space<vmem>>
    %dma_start3A_39 = tpu.memref_squeeze %dma_start3A_38 : memref<1x128x64xi32, #tpu.memory_space<vmem>> -> memref<128x64xi32, #tpu.memory_space<vmem>>
    %dma_start3A_40 = arith.constant 256 : i32
    %dma_start3A_41 = tpu.memref_slice %arg8[%dma_start3A_34, %dma_start3A_40] : memref<2x512xi32, #tpu.memory_space<vmem>> -> memref<1x128xi32, #tpu.memory_space<vmem>>
    %dma_start3A_42 = tpu.memref_squeeze %dma_start3A_41 : memref<1x128xi32, #tpu.memory_space<vmem>> -> memref<128xi32, #tpu.memory_space<vmem>>
    %dma_start3A_43 = arith.constant 0 : i32
    %dma_start3A_44 = arith.constant 0 : i32
    %dma_start3A_45 = tpu.memref_slice %arg10[%dma_start3A_43, %dma_start3A_44] : memref<1000x64xi32, #tpu.memory_space<vmem_shared>> -> memref<1000x64xi32, #tpu.memory_space<vmem_shared>>
    tpu.enqueue_indirect_dma source(%dma_start3A_45 : memref<1000x64xi32, #tpu.memory_space<vmem_shared>>) target(%dma_start3A_39 : memref<128x64xi32, #tpu.memory_space<vmem>>) offsets(%dma_start3A_42 : memref<128xi32, #tpu.memory_space<vmem>>) semaphore(%arg14 : memref<!tpu.dma_semaphore, #tpu.memory_space<semaphore_mem>>)
    %dma_start3A_46 = arith.constant 0 : i32
    %dma_start3A_47 = arith.constant 3 : i32
    %dma_start3A_48 = arith.constant 0 : i32
    %dma_start3A_49 = arith.constant 0 : i32
    %dma_start3A_50 = tpu.memref_slice %arg9[%dma_start3A_47, %dma_start3A_48, %dma_start3A_49] : memref<4x128x64xi32, #tpu.memory_space<vmem>> -> memref<1x128x64xi32, #tpu.memory_space<vmem>>
    %dma_start3A_51 = tpu.memref_squeeze %dma_start3A_50 : memref<1x128x64xi32, #tpu.memory_space<vmem>> -> memref<128x64xi32, #tpu.memory_space<vmem>>
    %dma_start3A_52 = arith.constant 384 : i32
    %dma_start3A_53 = tpu.memref_slice %arg8[%dma_start3A_46, %dma_start3A_52] : memref<2x512xi32, #tpu.memory_space<vmem>> -> memref<1x128xi32, #tpu.memory_space<vmem>>
    %dma_start3A_54 = tpu.memref_squeeze %dma_start3A_53 : memref<1x128xi32, #tpu.memory_space<vmem>> -> memref<128xi32, #tpu.memory_space<vmem>>
    %dma_start3A_55 = arith.constant 0 : i32
    %dma_start3A_56 = arith.constant 0 : i32
    %dma_start3A_57 = tpu.memref_slice %arg10[%dma_start3A_55, %dma_start3A_56] : memref<1000x64xi32, #tpu.memory_space<vmem_shared>> -> memref<1000x64xi32, #tpu.memory_space<vmem_shared>>
    tpu.enqueue_indirect_dma source(%dma_start3A_57 : memref<1000x64xi32, #tpu.memory_space<vmem_shared>>) target(%dma_start3A_51 : memref<128x64xi32, #tpu.memory_space<vmem>>) offsets(%dma_start3A_54 : memref<128xi32, #tpu.memory_space<vmem>>) semaphore(%arg15 : memref<!tpu.dma_semaphore, #tpu.memory_space<semaphore_mem>>)
    %dma_wait3A = arith.constant 0 : i32
    %dma_wait3A_58 = arith.constant 0 : i32
    %dma_wait3A_59 = arith.constant 0 : i32
    %dma_wait3A_60 = arith.constant 0 : i32
    %dma_wait3A_61 = tpu.memref_slice %arg9[%dma_wait3A_58, %dma_wait3A_59, %dma_wait3A_60] : memref<4x128x64xi32, #tpu.memory_space<vmem>> -> memref<1x128x64xi32, #tpu.memory_space<vmem>>
    %dma_wait3A_62 = tpu.memref_squeeze %dma_wait3A_61 : memref<1x128x64xi32, #tpu.memory_space<vmem>> -> memref<128x64xi32, #tpu.memory_space<vmem>>
    %dma_wait3A_63 = arith.constant 0 : i32
    %dma_wait3A_64 = tpu.memref_slice %arg8[%dma_wait3A, %dma_wait3A_63] : memref<2x512xi32, #tpu.memory_space<vmem>> -> memref<1x128xi32, #tpu.memory_space<vmem>>
    %dma_wait3A_65 = tpu.memref_squeeze %dma_wait3A_64 : memref<1x128xi32, #tpu.memory_space<vmem>> -> memref<128xi32, #tpu.memory_space<vmem>>
    %dma_wait3A_66 = arith.constant 0 : i32
    %dma_wait3A_67 = arith.constant 0 : i32
    %dma_wait3A_68 = tpu.memref_slice %arg10[%dma_wait3A_66, %dma_wait3A_67] : memref<1000x64xi32, #tpu.memory_space<vmem_shared>> -> memref<1000x64xi32, #tpu.memory_space<vmem_shared>>
    tpu.wait_indirect_dma semaphore(%arg12 : memref<!tpu.dma_semaphore, #tpu.memory_space<semaphore_mem>>) src(%dma_wait3A_68 : memref<1000x64xi32, #tpu.memory_space<vmem_shared>>) dst(%dma_wait3A_62 : memref<128x64xi32, #tpu.memory_space<vmem>>)
    %add3A_69 = arith.constant 0 : i32
    %add3A_70 = arith.addi %mul3A_2, %add3A_69 : i32
    %dma_start3A_71 = arith.constant 0 : i32
    %dma_start3A_72 = arith.constant 0 : i32
    %dma_start3A_73 = arith.constant 0 : i32
    %dma_start3A_74 = tpu.memref_slice %arg9[%dma_start3A_71, %dma_start3A_72, %dma_start3A_73] : memref<4x128x64xi32, #tpu.memory_space<vmem>> -> memref<1x128x64xi32, #tpu.memory_space<vmem>>
    %dma_start3A_75 = tpu.memref_squeeze %dma_start3A_74 : memref<1x128x64xi32, #tpu.memory_space<vmem>> -> memref<128x64xi32, #tpu.memory_space<vmem>>
    %dma_start3A_76 = arith.constant 0 : i32
    %dma_start3A_77 = tpu.memref_slice %arg6[%add3A_70, %dma_start3A_76] : memref<16384x64xi32, #tpu.memory_space<hbm>> -> memref<128x64xi32, #tpu.memory_space<hbm>>
    %dma_start3A_78 = arith.constant 0 : i32
    %dma_start3A_79 = tpu.memref_slice %arg6[%add3A_70, %dma_start3A_78] : memref<16384x64xi32, #tpu.memory_space<hbm>> -> memref<128x64xi32, #tpu.memory_space<hbm>>
    %dma_start3A_80 = arith.constant 0 : i32
    %dma_start3A_81 = arith.constant 0 : i32
    %dma_start3A_82 = tpu.memref_slice %arg9[%dma_start3A_71, %dma_start3A_80, %dma_start3A_81] : memref<4x128x64xi32, #tpu.memory_space<vmem>> -> memref<1x128x64xi32, #tpu.memory_space<vmem>>
    %dma_start3A_83 = tpu.memref_squeeze %dma_start3A_82 : memref<1x128x64xi32, #tpu.memory_space<vmem>> -> memref<128x64xi32, #tpu.memory_space<vmem>>
    tpu.enqueue_dma source(%dma_start3A_83 : memref<128x64xi32, #tpu.memory_space<vmem>>) target(%dma_start3A_79 : memref<128x64xi32, #tpu.memory_space<hbm>>) target_semaphore(%arg16 : memref<!tpu.dma_semaphore, #tpu.memory_space<semaphore_mem>>)
    %dma_wait3A_84 = arith.constant 0 : i32
    %dma_wait3A_85 = arith.constant 0 : i32
    %dma_wait3A_86 = arith.constant 0 : i32
    %dma_wait3A_87 = tpu.memref_slice %arg9[%dma_wait3A_84, %dma_wait3A_85, %dma_wait3A_86] : memref<4x128x64xi32, #tpu.memory_space<vmem>> -> memref<1x128x64xi32, #tpu.memory_space<vmem>>
    %dma_wait3A_88 = tpu.memref_squeeze %dma_wait3A_87 : memref<1x128x64xi32, #tpu.memory_space<vmem>> -> memref<128x64xi32, #tpu.memory_space<vmem>>
    %dma_wait3A_89 = arith.constant 0 : i32
    %dma_wait3A_90 = tpu.memref_slice %arg6[%add3A_70, %dma_wait3A_89] : memref<16384x64xi32, #tpu.memory_space<hbm>> -> memref<128x64xi32, #tpu.memory_space<hbm>>
    %dma_wait3A_91 = arith.constant 0 : i32
    %dma_wait3A_92 = tpu.memref_slice %arg6[%add3A_70, %dma_wait3A_91] : memref<16384x64xi32, #tpu.memory_space<hbm>> -> memref<128x64xi32, #tpu.memory_space<hbm>>
    %dma_wait3A_93 = arith.constant 0 : i32
    %dma_wait3A_94 = arith.constant 0 : i32
    %dma_wait3A_95 = tpu.memref_slice %arg9[%dma_wait3A_84, %dma_wait3A_93, %dma_wait3A_94] : memref<4x128x64xi32, #tpu.memory_space<vmem>> -> memref<1x128x64xi32, #tpu.memory_space<vmem>>
    %dma_wait3A_96 = tpu.memref_squeeze %dma_wait3A_95 : memref<1x128x64xi32, #tpu.memory_space<vmem>> -> memref<128x64xi32, #tpu.memory_space<vmem>>
    tpu.wait_dma2 semaphore(%arg16 : memref<!tpu.dma_semaphore, #tpu.memory_space<semaphore_mem>>) src(%dma_wait3A_96 : memref<128x64xi32, #tpu.memory_space<vmem>>) dst(%dma_wait3A_92 : memref<128x64xi32, #tpu.memory_space<hbm>>)
    %dma_start3A_97 = arith.constant 1 : i32
    %dma_start3A_98 = arith.constant 0 : i32
    %dma_start3A_99 = arith.constant 0 : i32
    %dma_start3A_100 = arith.constant 0 : i32
    %dma_start3A_101 = tpu.memref_slice %arg9[%dma_start3A_98, %dma_start3A_99, %dma_start3A_100] : memref<4x128x64xi32, #tpu.memory_space<vmem>> -> memref<1x128x64xi32, #tpu.memory_space<vmem>>
    %dma_start3A_102 = tpu.memref_squeeze %dma_start3A_101 : memref<1x128x64xi32, #tpu.memory_space<vmem>> -> memref<128x64xi32, #tpu.memory_space<vmem>>
    %dma_start3A_103 = arith.constant 0 : i32
    %dma_start3A_104 = tpu.memref_slice %arg8[%dma_start3A_97, %dma_start3A_103] : memref<2x512xi32, #tpu.memory_space<vmem>> -> memref<1x128xi32, #tpu.memory_space<vmem>>
    %dma_start3A_105 = tpu.memref_squeeze %dma_start3A_104 : memref<1x128xi32, #tpu.memory_space<vmem>> -> memref<128xi32, #tpu.memory_space<vmem>>
    %dma_start3A_106 = arith.constant 0 : i32
    %dma_start3A_107 = arith.constant 0 : i32
    %dma_start3A_108 = tpu.memref_slice %arg11[%dma_start3A_106, %dma_start3A_107] : memref<1000x64xi32, #tpu.memory_space<vmem_shared>> -> memref<1000x64xi32, #tpu.memory_space<vmem_shared>>
    tpu.enqueue_indirect_dma source(%dma_start3A_108 : memref<1000x64xi32, #tpu.memory_space<vmem_shared>>) target(%dma_start3A_102 : memref<128x64xi32, #tpu.memory_space<vmem>>) offsets(%dma_start3A_105 : memref<128xi32, #tpu.memory_space<vmem>>) semaphore(%arg12 : memref<!tpu.dma_semaphore, #tpu.memory_space<semaphore_mem>>)
    %dma_wait3A_109 = arith.constant 0 : i32
    %dma_wait3A_110 = arith.constant 1 : i32
    %dma_wait3A_111 = arith.constant 0 : i32
    %dma_wait3A_112 = arith.constant 0 : i32
    %dma_wait3A_113 = tpu.memref_slice %arg9[%dma_wait3A_110, %dma_wait3A_111, %dma_wait3A_112] : memref<4x128x64xi32, #tpu.memory_space<vmem>> -> memref<1x128x64xi32, #tpu.memory_space<vmem>>
    %dma_wait3A_114 = tpu.memref_squeeze %dma_wait3A_113 : memref<1x128x64xi32, #tpu.memory_space<vmem>> -> memref<128x64xi32, #tpu.memory_space<vmem>>
    %dma_wait3A_115 = arith.constant 128 : i32
    %dma_wait3A_116 = tpu.memref_slice %arg8[%dma_wait3A_109, %dma_wait3A_115] : memref<2x512xi32, #tpu.memory_space<vmem>> -> memref<1x128xi32, #tpu.memory_space<vmem>>
    %dma_wait3A_117 = tpu.memref_squeeze %dma_wait3A_116 : memref<1x128xi32, #tpu.memory_space<vmem>> -> memref<128xi32, #tpu.memory_space<vmem>>
    %dma_wait3A_118 = arith.constant 0 : i32
    %dma_wait3A_119 = arith.constant 0 : i32
    %dma_wait3A_120 = tpu.memref_slice %arg10[%dma_wait3A_118, %dma_wait3A_119] : memref<1000x64xi32, #tpu.memory_space<vmem_shared>> -> memref<1000x64xi32, #tpu.memory_space<vmem_shared>>
    tpu.wait_indirect_dma semaphore(%arg13 : memref<!tpu.dma_semaphore, #tpu.memory_space<semaphore_mem>>) src(%dma_wait3A_120 : memref<1000x64xi32, #tpu.memory_space<vmem_shared>>) dst(%dma_wait3A_114 : memref<128x64xi32, #tpu.memory_space<vmem>>)
    %add3A_121 = arith.constant 128 : i32
    %add3A_122 = arith.addi %mul3A_2, %add3A_121 : i32
    %dma_start3A_123 = arith.constant 1 : i32
    %dma_start3A_124 = arith.constant 0 : i32
    %dma_start3A_125 = arith.constant 0 : i32
    %dma_start3A_126 = tpu.memref_slice %arg9[%dma_start3A_123, %dma_start3A_124, %dma_start3A_125] : memref<4x128x64xi32, #tpu.memory_space<vmem>> -> memref<1x128x64xi32, #tpu.memory_space<vmem>>
    %dma_start3A_127 = tpu.memref_squeeze %dma_start3A_126 : memref<1x128x64xi32, #tpu.memory_space<vmem>> -> memref<128x64xi32, #tpu.memory_space<vmem>>
    %dma_start3A_128 = arith.constant 0 : i32
    %dma_start3A_129 = tpu.memref_slice %arg6[%add3A_122, %dma_start3A_128] : memref<16384x64xi32, #tpu.memory_space<hbm>> -> memref<128x64xi32, #tpu.memory_space<hbm>>
    %dma_start3A_130 = arith.constant 0 : i32
    %dma_start3A_131 = tpu.memref_slice %arg6[%add3A_122, %dma_start3A_130] : memref<16384x64xi32, #tpu.memory_space<hbm>> -> memref<128x64xi32, #tpu.memory_space<hbm>>
    %dma_start3A_132 = arith.constant 0 : i32
    %dma_start3A_133 = arith.constant 0 : i32
    %dma_start3A_134 = tpu.memref_slice %arg9[%dma_start3A_123, %dma_start3A_132, %dma_start3A_133] : memref<4x128x64xi32, #tpu.memory_space<vmem>> -> memref<1x128x64xi32, #tpu.memory_space<vmem>>
    %dma_start3A_135 = tpu.memref_squeeze %dma_start3A_134 : memref<1x128x64xi32, #tpu.memory_space<vmem>> -> memref<128x64xi32, #tpu.memory_space<vmem>>
    tpu.enqueue_dma source(%dma_start3A_135 : memref<128x64xi32, #tpu.memory_space<vmem>>) target(%dma_start3A_131 : memref<128x64xi32, #tpu.memory_space<hbm>>) target_semaphore(%arg17 : memref<!tpu.dma_semaphore, #tpu.memory_space<semaphore_mem>>)
    %dma_wait3A_136 = arith.constant 1 : i32
    %dma_wait3A_137 = arith.constant 0 : i32
    %dma_wait3A_138 = arith.constant 0 : i32
    %dma_wait3A_139 = tpu.memref_slice %arg9[%dma_wait3A_136, %dma_wait3A_137, %dma_wait3A_138] : memref<4x128x64xi32, #tpu.memory_space<vmem>> -> memref<1x128x64xi32, #tpu.memory_space<vmem>>
    %dma_wait3A_140 = tpu.memref_squeeze %dma_wait3A_139 : memref<1x128x64xi32, #tpu.memory_space<vmem>> -> memref<128x64xi32, #tpu.memory_space<vmem>>
    %dma_wait3A_141 = arith.constant 0 : i32
    %dma_wait3A_142 = tpu.memref_slice %arg6[%add3A_122, %dma_wait3A_141] : memref<16384x64xi32, #tpu.memory_space<hbm>> -> memref<128x64xi32, #tpu.memory_space<hbm>>
    %dma_wait3A_143 = arith.constant 0 : i32
    %dma_wait3A_144 = tpu.memref_slice %arg6[%add3A_122, %dma_wait3A_143] : memref<16384x64xi32, #tpu.memory_space<hbm>> -> memref<128x64xi32, #tpu.memory_space<hbm>>
    %dma_wait3A_145 = arith.constant 0 : i32
    %dma_wait3A_146 = arith.constant 0 : i32
    %dma_wait3A_147 = tpu.memref_slice %arg9[%dma_wait3A_136, %dma_wait3A_145, %dma_wait3A_146] : memref<4x128x64xi32, #tpu.memory_space<vmem>> -> memref<1x128x64xi32, #tpu.memory_space<vmem>>
    %dma_wait3A_148 = tpu.memref_squeeze %dma_wait3A_147 : memref<1x128x64xi32, #tpu.memory_space<vmem>> -> memref<128x64xi32, #tpu.memory_space<vmem>>
    tpu.wait_dma2 semaphore(%arg17 : memref<!tpu.dma_semaphore, #tpu.memory_space<semaphore_mem>>) src(%dma_wait3A_148 : memref<128x64xi32, #tpu.memory_space<vmem>>) dst(%dma_wait3A_144 : memref<128x64xi32, #tpu.memory_space<hbm>>)
    %dma_start3A_149 = arith.constant 1 : i32
    %dma_start3A_150 = arith.constant 1 : i32
    %dma_start3A_151 = arith.constant 0 : i32
    %dma_start3A_152 = arith.constant 0 : i32
    %dma_start3A_153 = tpu.memref_slice %arg9[%dma_start3A_150, %dma_start3A_151, %dma_start3A_152] : memref<4x128x64xi32, #tpu.memory_space<vmem>> -> memref<1x128x64xi32, #tpu.memory_space<vmem>>
    %dma_start3A_154 = tpu.memref_squeeze %dma_start3A_153 : memref<1x128x64xi32, #tpu.memory_space<vmem>> -> memref<128x64xi32, #tpu.memory_space<vmem>>
    %dma_start3A_155 = arith.constant 128 : i32
    %dma_start3A_156 = tpu.memref_slice %arg8[%dma_start3A_149, %dma_start3A_155] : memref<2x512xi32, #tpu.memory_space<vmem>> -> memref<1x128xi32, #tpu.memory_space<vmem>>
    %dma_start3A_157 = tpu.memref_squeeze %dma_start3A_156 : memref<1x128xi32, #tpu.memory_space<vmem>> -> memref<128xi32, #tpu.memory_space<vmem>>
    %dma_start3A_158 = arith.constant 0 : i32
    %dma_start3A_159 = arith.constant 0 : i32
    %dma_start3A_160 = tpu.memref_slice %arg11[%dma_start3A_158, %dma_start3A_159] : memref<1000x64xi32, #tpu.memory_space<vmem_shared>> -> memref<1000x64xi32, #tpu.memory_space<vmem_shared>>
    tpu.enqueue_indirect_dma source(%dma_start3A_160 : memref<1000x64xi32, #tpu.memory_space<vmem_shared>>) target(%dma_start3A_154 : memref<128x64xi32, #tpu.memory_space<vmem>>) offsets(%dma_start3A_157 : memref<128xi32, #tpu.memory_space<vmem>>) semaphore(%arg13 : memref<!tpu.dma_semaphore, #tpu.memory_space<semaphore_mem>>)
    %dma_wait3A_161 = arith.constant 0 : i32
    %dma_wait3A_162 = arith.constant 2 : i32
    %dma_wait3A_163 = arith.constant 0 : i32
    %dma_wait3A_164 = arith.constant 0 : i32
    %dma_wait3A_165 = tpu.memref_slice %arg9[%dma_wait3A_162, %dma_wait3A_163, %dma_wait3A_164] : memref<4x128x64xi32, #tpu.memory_space<vmem>> -> memref<1x128x64xi32, #tpu.memory_space<vmem>>
    %dma_wait3A_166 = tpu.memref_squeeze %dma_wait3A_165 : memref<1x128x64xi32, #tpu.memory_space<vmem>> -> memref<128x64xi32, #tpu.memory_space<vmem>>
    %dma_wait3A_167 = arith.constant 256 : i32
    %dma_wait3A_168 = tpu.memref_slice %arg8[%dma_wait3A_161, %dma_wait3A_167] : memref<2x512xi32, #tpu.memory_space<vmem>> -> memref<1x128xi32, #tpu.memory_space<vmem>>
    %dma_wait3A_169 = tpu.memref_squeeze %dma_wait3A_168 : memref<1x128xi32, #tpu.memory_space<vmem>> -> memref<128xi32, #tpu.memory_space<vmem>>
    %dma_wait3A_170 = arith.constant 0 : i32
    %dma_wait3A_171 = arith.constant 0 : i32
    %dma_wait3A_172 = tpu.memref_slice %arg10[%dma_wait3A_170, %dma_wait3A_171] : memref<1000x64xi32, #tpu.memory_space<vmem_shared>> -> memref<1000x64xi32, #tpu.memory_space<vmem_shared>>
    tpu.wait_indirect_dma semaphore(%arg14 : memref<!tpu.dma_semaphore, #tpu.memory_space<semaphore_mem>>) src(%dma_wait3A_172 : memref<1000x64xi32, #tpu.memory_space<vmem_shared>>) dst(%dma_wait3A_166 : memref<128x64xi32, #tpu.memory_space<vmem>>)
    %add3A_173 = arith.constant 256 : i32
    %add3A_174 = arith.addi %mul3A_2, %add3A_173 : i32
    %dma_start3A_175 = arith.constant 2 : i32
    %dma_start3A_176 = arith.constant 0 : i32
    %dma_start3A_177 = arith.constant 0 : i32
    %dma_start3A_178 = tpu.memref_slice %arg9[%dma_start3A_175, %dma_start3A_176, %dma_start3A_177] : memref<4x128x64xi32, #tpu.memory_space<vmem>> -> memref<1x128x64xi32, #tpu.memory_space<vmem>>
    %dma_start3A_179 = tpu.memref_squeeze %dma_start3A_178 : memref<1x128x64xi32, #tpu.memory_space<vmem>> -> memref<128x64xi32, #tpu.memory_space<vmem>>
    %dma_start3A_180 = arith.constant 0 : i32
    %dma_start3A_181 = tpu.memref_slice %arg6[%add3A_174, %dma_start3A_180] : memref<16384x64xi32, #tpu.memory_space<hbm>> -> memref<128x64xi32, #tpu.memory_space<hbm>>
    %dma_start3A_182 = arith.constant 0 : i32
    %dma_start3A_183 = tpu.memref_slice %arg6[%add3A_174, %dma_start3A_182] : memref<16384x64xi32, #tpu.memory_space<hbm>> -> memref<128x64xi32, #tpu.memory_space<hbm>>
    %dma_start3A_184 = arith.constant 0 : i32
    %dma_start3A_185 = arith.constant 0 : i32
    %dma_start3A_186 = tpu.memref_slice %arg9[%dma_start3A_175, %dma_start3A_184, %dma_start3A_185] : memref<4x128x64xi32, #tpu.memory_space<vmem>> -> memref<1x128x64xi32, #tpu.memory_space<vmem>>
    %dma_start3A_187 = tpu.memref_squeeze %dma_start3A_186 : memref<1x128x64xi32, #tpu.memory_space<vmem>> -> memref<128x64xi32, #tpu.memory_space<vmem>>
    tpu.enqueue_dma source(%dma_start3A_187 : memref<128x64xi32, #tpu.memory_space<vmem>>) target(%dma_start3A_183 : memref<128x64xi32, #tpu.memory_space<hbm>>) target_semaphore(%arg18 : memref<!tpu.dma_semaphore, #tpu.memory_space<semaphore_mem>>)
    %dma_wait3A_188 = arith.constant 2 : i32
    %dma_wait3A_189 = arith.constant 0 : i32
    %dma_wait3A_190 = arith.constant 0 : i32
    %dma_wait3A_191 = tpu.memref_slice %arg9[%dma_wait3A_188, %dma_wait3A_189, %dma_wait3A_190] : memref<4x128x64xi32, #tpu.memory_space<vmem>> -> memref<1x128x64xi32, #tpu.memory_space<vmem>>
    %dma_wait3A_192 = tpu.memref_squeeze %dma_wait3A_191 : memref<1x128x64xi32, #tpu.memory_space<vmem>> -> memref<128x64xi32, #tpu.memory_space<vmem>>
    %dma_wait3A_193 = arith.constant 0 : i32
    %dma_wait3A_194 = tpu.memref_slice %arg6[%add3A_174, %dma_wait3A_193] : memref<16384x64xi32, #tpu.memory_space<hbm>> -> memref<128x64xi32, #tpu.memory_space<hbm>>
    %dma_wait3A_195 = arith.constant 0 : i32
    %dma_wait3A_196 = tpu.memref_slice %arg6[%add3A_174, %dma_wait3A_195] : memref<16384x64xi32, #tpu.memory_space<hbm>> -> memref<128x64xi32, #tpu.memory_space<hbm>>
    %dma_wait3A_197 = arith.constant 0 : i32
    %dma_wait3A_198 = arith.constant 0 : i32
    %dma_wait3A_199 = tpu.memref_slice %arg9[%dma_wait3A_188, %dma_wait3A_197, %dma_wait3A_198] : memref<4x128x64xi32, #tpu.memory_space<vmem>> -> memref<1x128x64xi32, #tpu.memory_space<vmem>>
    %dma_wait3A_200 = tpu.memref_squeeze %dma_wait3A_199 : memref<1x128x64xi32, #tpu.memory_space<vmem>> -> memref<128x64xi32, #tpu.memory_space<vmem>>
    tpu.wait_dma2 semaphore(%arg18 : memref<!tpu.dma_semaphore, #tpu.memory_space<semaphore_mem>>) src(%dma_wait3A_200 : memref<128x64xi32, #tpu.memory_space<vmem>>) dst(%dma_wait3A_196 : memref<128x64xi32, #tpu.memory_space<hbm>>)
    %dma_start3A_201 = arith.constant 1 : i32
    %dma_start3A_202 = arith.constant 2 : i32
    %dma_start3A_203 = arith.constant 0 : i32
    %dma_start3A_204 = arith.constant 0 : i32
    %dma_start3A_205 = tpu.memref_slice %arg9[%dma_start3A_202, %dma_start3A_203, %dma_start3A_204] : memref<4x128x64xi32, #tpu.memory_space<vmem>> -> memref<1x128x64xi32, #tpu.memory_space<vmem>>
    %dma_start3A_206 = tpu.memref_squeeze %dma_start3A_205 : memref<1x128x64xi32, #tpu.memory_space<vmem>> -> memref<128x64xi32, #tpu.memory_space<vmem>>
    %dma_start3A_207 = arith.constant 256 : i32
    %dma_start3A_208 = tpu.memref_slice %arg8[%dma_start3A_201, %dma_start3A_207] : memref<2x512xi32, #tpu.memory_space<vmem>> -> memref<1x128xi32, #tpu.memory_space<vmem>>
    %dma_start3A_209 = tpu.memref_squeeze %dma_start3A_208 : memref<1x128xi32, #tpu.memory_space<vmem>> -> memref<128xi32, #tpu.memory_space<vmem>>
    %dma_start3A_210 = arith.constant 0 : i32
    %dma_start3A_211 = arith.constant 0 : i32
    %dma_start3A_212 = tpu.memref_slice %arg11[%dma_start3A_210, %dma_start3A_211] : memref<1000x64xi32, #tpu.memory_space<vmem_shared>> -> memref<1000x64xi32, #tpu.memory_space<vmem_shared>>
    tpu.enqueue_indirect_dma source(%dma_start3A_212 : memref<1000x64xi32, #tpu.memory_space<vmem_shared>>) target(%dma_start3A_206 : memref<128x64xi32, #tpu.memory_space<vmem>>) offsets(%dma_start3A_209 : memref<128xi32, #tpu.memory_space<vmem>>) semaphore(%arg14 : memref<!tpu.dma_semaphore, #tpu.memory_space<semaphore_mem>>)
    %dma_wait3A_213 = arith.constant 0 : i32
    %dma_wait3A_214 = arith.constant 3 : i32
    %dma_wait3A_215 = arith.constant 0 : i32
    %dma_wait3A_216 = arith.constant 0 : i32
    %dma_wait3A_217 = tpu.memref_slice %arg9[%dma_wait3A_214, %dma_wait3A_215, %dma_wait3A_216] : memref<4x128x64xi32, #tpu.memory_space<vmem>> -> memref<1x128x64xi32, #tpu.memory_space<vmem>>
    %dma_wait3A_218 = tpu.memref_squeeze %dma_wait3A_217 : memref<1x128x64xi32, #tpu.memory_space<vmem>> -> memref<128x64xi32, #tpu.memory_space<vmem>>
    %dma_wait3A_219 = arith.constant 384 : i32
    %dma_wait3A_220 = tpu.memref_slice %arg8[%dma_wait3A_213, %dma_wait3A_219] : memref<2x512xi32, #tpu.memory_space<vmem>> -> memref<1x128xi32, #tpu.memory_space<vmem>>
    %dma_wait3A_221 = tpu.memref_squeeze %dma_wait3A_220 : memref<1x128xi32, #tpu.memory_space<vmem>> -> memref<128xi32, #tpu.memory_space<vmem>>
    %dma_wait3A_222 = arith.constant 0 : i32
    %dma_wait3A_223 = arith.constant 0 : i32
    %dma_wait3A_224 = tpu.memref_slice %arg10[%dma_wait3A_222, %dma_wait3A_223] : memref<1000x64xi32, #tpu.memory_space<vmem_shared>> -> memref<1000x64xi32, #tpu.memory_space<vmem_shared>>
    tpu.wait_indirect_dma semaphore(%arg15 : memref<!tpu.dma_semaphore, #tpu.memory_space<semaphore_mem>>) src(%dma_wait3A_224 : memref<1000x64xi32, #tpu.memory_space<vmem_shared>>) dst(%dma_wait3A_218 : memref<128x64xi32, #tpu.memory_space<vmem>>)
    %add3A_225 = arith.constant 384 : i32
    %add3A_226 = arith.addi %mul3A_2, %add3A_225 : i32
    %dma_start3A_227 = arith.constant 3 : i32
    %dma_start3A_228 = arith.constant 0 : i32
    %dma_start3A_229 = arith.constant 0 : i32
    %dma_start3A_230 = tpu.memref_slice %arg9[%dma_start3A_227, %dma_start3A_228, %dma_start3A_229] : memref<4x128x64xi32, #tpu.memory_space<vmem>> -> memref<1x128x64xi32, #tpu.memory_space<vmem>>
    %dma_start3A_231 = tpu.memref_squeeze %dma_start3A_230 : memref<1x128x64xi32, #tpu.memory_space<vmem>> -> memref<128x64xi32, #tpu.memory_space<vmem>>
    %dma_start3A_232 = arith.constant 0 : i32
    %dma_start3A_233 = tpu.memref_slice %arg6[%add3A_226, %dma_start3A_232] : memref<16384x64xi32, #tpu.memory_space<hbm>> -> memref<128x64xi32, #tpu.memory_space<hbm>>
    %dma_start3A_234 = arith.constant 0 : i32
    %dma_start3A_235 = tpu.memref_slice %arg6[%add3A_226, %dma_start3A_234] : memref<16384x64xi32, #tpu.memory_space<hbm>> -> memref<128x64xi32, #tpu.memory_space<hbm>>
    %dma_start3A_236 = arith.constant 0 : i32
    %dma_start3A_237 = arith.constant 0 : i32
    %dma_start3A_238 = tpu.memref_slice %arg9[%dma_start3A_227, %dma_start3A_236, %dma_start3A_237] : memref<4x128x64xi32, #tpu.memory_space<vmem>> -> memref<1x128x64xi32, #tpu.memory_space<vmem>>
    %dma_start3A_239 = tpu.memref_squeeze %dma_start3A_238 : memref<1x128x64xi32, #tpu.memory_space<vmem>> -> memref<128x64xi32, #tpu.memory_space<vmem>>
    tpu.enqueue_dma source(%dma_start3A_239 : memref<128x64xi32, #tpu.memory_space<vmem>>) target(%dma_start3A_235 : memref<128x64xi32, #tpu.memory_space<hbm>>) target_semaphore(%arg19 : memref<!tpu.dma_semaphore, #tpu.memory_space<semaphore_mem>>)
    %dma_wait3A_240 = arith.constant 3 : i32
    %dma_wait3A_241 = arith.constant 0 : i32
    %dma_wait3A_242 = arith.constant 0 : i32
    %dma_wait3A_243 = tpu.memref_slice %arg9[%dma_wait3A_240, %dma_wait3A_241, %dma_wait3A_242] : memref<4x128x64xi32, #tpu.memory_space<vmem>> -> memref<1x128x64xi32, #tpu.memory_space<vmem>>
    %dma_wait3A_244 = tpu.memref_squeeze %dma_wait3A_243 : memref<1x128x64xi32, #tpu.memory_space<vmem>> -> memref<128x64xi32, #tpu.memory_space<vmem>>
    %dma_wait3A_245 = arith.constant 0 : i32
    %dma_wait3A_246 = tpu.memref_slice %arg6[%add3A_226, %dma_wait3A_245] : memref<16384x64xi32, #tpu.memory_space<hbm>> -> memref<128x64xi32, #tpu.memory_space<hbm>>
    %dma_wait3A_247 = arith.constant 0 : i32
    %dma_wait3A_248 = tpu.memref_slice %arg6[%add3A_226, %dma_wait3A_247] : memref<16384x64xi32, #tpu.memory_space<hbm>> -> memref<128x64xi32, #tpu.memory_space<hbm>>
    %dma_wait3A_249 = arith.constant 0 : i32
    %dma_wait3A_250 = arith.constant 0 : i32
    %dma_wait3A_251 = tpu.memref_slice %arg9[%dma_wait3A_240, %dma_wait3A_249, %dma_wait3A_250] : memref<4x128x64xi32, #tpu.memory_space<vmem>> -> memref<1x128x64xi32, #tpu.memory_space<vmem>>
    %dma_wait3A_252 = tpu.memref_squeeze %dma_wait3A_251 : memref<1x128x64xi32, #tpu.memory_space<vmem>> -> memref<128x64xi32, #tpu.memory_space<vmem>>
    tpu.wait_dma2 semaphore(%arg19 : memref<!tpu.dma_semaphore, #tpu.memory_space<semaphore_mem>>) src(%dma_wait3A_252 : memref<128x64xi32, #tpu.memory_space<vmem>>) dst(%dma_wait3A_248 : memref<128x64xi32, #tpu.memory_space<hbm>>)
    %dma_start3A_253 = arith.constant 1 : i32
    %dma_start3A_254 = arith.constant 3 : i32
    %dma_start3A_255 = arith.constant 0 : i32
    %dma_start3A_256 = arith.constant 0 : i32
    %dma_start3A_257 = tpu.memref_slice %arg9[%dma_start3A_254, %dma_start3A_255, %dma_start3A_256] : memref<4x128x64xi32, #tpu.memory_space<vmem>> -> memref<1x128x64xi32, #tpu.memory_space<vmem>>
    %dma_start3A_258 = tpu.memref_squeeze %dma_start3A_257 : memref<1x128x64xi32, #tpu.memory_space<vmem>> -> memref<128x64xi32, #tpu.memory_space<vmem>>
    %dma_start3A_259 = arith.constant 384 : i32
    %dma_start3A_260 = tpu.memref_slice %arg8[%dma_start3A_253, %dma_start3A_259] : memref<2x512xi32, #tpu.memory_space<vmem>> -> memref<1x128xi32, #tpu.memory_space<vmem>>
    %dma_start3A_261 = tpu.memref_squeeze %dma_start3A_260 : memref<1x128xi32, #tpu.memory_space<vmem>> -> memref<128xi32, #tpu.memory_space<vmem>>
    %dma_start3A_262 = arith.constant 0 : i32
    %dma_start3A_263 = arith.constant 0 : i32
    %dma_start3A_264 = tpu.memref_slice %arg11[%dma_start3A_262, %dma_start3A_263] : memref<1000x64xi32, #tpu.memory_space<vmem_shared>> -> memref<1000x64xi32, #tpu.memory_space<vmem_shared>>
    tpu.enqueue_indirect_dma source(%dma_start3A_264 : memref<1000x64xi32, #tpu.memory_space<vmem_shared>>) target(%dma_start3A_258 : memref<128x64xi32, #tpu.memory_space<vmem>>) offsets(%dma_start3A_261 : memref<128xi32, #tpu.memory_space<vmem>>) semaphore(%arg15 : memref<!tpu.dma_semaphore, #tpu.memory_space<semaphore_mem>>)
    %dma_wait3A_265 = arith.constant 1 : i32
    %dma_wait3A_266 = arith.constant 0 : i32
    %dma_wait3A_267 = arith.constant 0 : i32
    %dma_wait3A_268 = arith.constant 0 : i32
    %dma_wait3A_269 = tpu.memref_slice %arg9[%dma_wait3A_266, %dma_wait3A_267, %dma_wait3A_268] : memref<4x128x64xi32, #tpu.memory_space<vmem>> -> memref<1x128x64xi32, #tpu.memory_space<vmem>>
    %dma_wait3A_270 = tpu.memref_squeeze %dma_wait3A_269 : memref<1x128x64xi32, #tpu.memory_space<vmem>> -> memref<128x64xi32, #tpu.memory_space<vmem>>
    %dma_wait3A_271 = arith.constant 0 : i32
    %dma_wait3A_272 = tpu.memref_slice %arg8[%dma_wait3A_265, %dma_wait3A_271] : memref<2x512xi32, #tpu.memory_space<vmem>> -> memref<1x128xi32, #tpu.memory_space<vmem>>
    %dma_wait3A_273 = tpu.memref_squeeze %dma_wait3A_272 : memref<1x128xi32, #tpu.memory_space<vmem>> -> memref<128xi32, #tpu.memory_space<vmem>>
    %dma_wait3A_274 = arith.constant 0 : i32
    %dma_wait3A_275 = arith.constant 0 : i32
    %dma_wait3A_276 = tpu.memref_slice %arg11[%dma_wait3A_274, %dma_wait3A_275] : memref<1000x64xi32, #tpu.memory_space<vmem_shared>> -> memref<1000x64xi32, #tpu.memory_space<vmem_shared>>
    tpu.wait_indirect_dma semaphore(%arg12 : memref<!tpu.dma_semaphore, #tpu.memory_space<semaphore_mem>>) src(%dma_wait3A_276 : memref<1000x64xi32, #tpu.memory_space<vmem_shared>>) dst(%dma_wait3A_270 : memref<128x64xi32, #tpu.memory_space<vmem>>)
    %add3A_277 = arith.constant 0 : i32
    %add3A_278 = arith.addi %mul3A_2, %add3A_277 : i32
    %dma_start3A_279 = arith.constant 0 : i32
    %dma_start3A_280 = arith.constant 0 : i32
    %dma_start3A_281 = arith.constant 0 : i32
    %dma_start3A_282 = tpu.memref_slice %arg9[%dma_start3A_279, %dma_start3A_280, %dma_start3A_281] : memref<4x128x64xi32, #tpu.memory_space<vmem>> -> memref<1x128x64xi32, #tpu.memory_space<vmem>>
    %dma_start3A_283 = tpu.memref_squeeze %dma_start3A_282 : memref<1x128x64xi32, #tpu.memory_space<vmem>> -> memref<128x64xi32, #tpu.memory_space<vmem>>
    %dma_start3A_284 = arith.constant 0 : i32
    %dma_start3A_285 = tpu.memref_slice %arg7[%add3A_278, %dma_start3A_284] : memref<16384x64xi32, #tpu.memory_space<hbm>> -> memref<128x64xi32, #tpu.memory_space<hbm>>
    %dma_start3A_286 = arith.constant 0 : i32
    %dma_start3A_287 = tpu.memref_slice %arg7[%add3A_278, %dma_start3A_286] : memref<16384x64xi32, #tpu.memory_space<hbm>> -> memref<128x64xi32, #tpu.memory_space<hbm>>
    %dma_start3A_288 = arith.constant 0 : i32
    %dma_start3A_289 = arith.constant 0 : i32
    %dma_start3A_290 = tpu.memref_slice %arg9[%dma_start3A_279, %dma_start3A_288, %dma_start3A_289] : memref<4x128x64xi32, #tpu.memory_space<vmem>> -> memref<1x128x64xi32, #tpu.memory_space<vmem>>
    %dma_start3A_291 = tpu.memref_squeeze %dma_start3A_290 : memref<1x128x64xi32, #tpu.memory_space<vmem>> -> memref<128x64xi32, #tpu.memory_space<vmem>>
    tpu.enqueue_dma source(%dma_start3A_291 : memref<128x64xi32, #tpu.memory_space<vmem>>) target(%dma_start3A_287 : memref<128x64xi32, #tpu.memory_space<hbm>>) target_semaphore(%arg16 : memref<!tpu.dma_semaphore, #tpu.memory_space<semaphore_mem>>)
    %dma_wait3A_292 = arith.constant 1 : i32
    %dma_wait3A_293 = arith.constant 1 : i32
    %dma_wait3A_294 = arith.constant 0 : i32
    %dma_wait3A_295 = arith.constant 0 : i32
    %dma_wait3A_296 = tpu.memref_slice %arg9[%dma_wait3A_293, %dma_wait3A_294, %dma_wait3A_295] : memref<4x128x64xi32, #tpu.memory_space<vmem>> -> memref<1x128x64xi32, #tpu.memory_space<vmem>>
    %dma_wait3A_297 = tpu.memref_squeeze %dma_wait3A_296 : memref<1x128x64xi32, #tpu.memory_space<vmem>> -> memref<128x64xi32, #tpu.memory_space<vmem>>
    %dma_wait3A_298 = arith.constant 128 : i32
    %dma_wait3A_299 = tpu.memref_slice %arg8[%dma_wait3A_292, %dma_wait3A_298] : memref<2x512xi32, #tpu.memory_space<vmem>> -> memref<1x128xi32, #tpu.memory_space<vmem>>
    %dma_wait3A_300 = tpu.memref_squeeze %dma_wait3A_299 : memref<1x128xi32, #tpu.memory_space<vmem>> -> memref<128xi32, #tpu.memory_space<vmem>>
    %dma_wait3A_301 = arith.constant 0 : i32
    %dma_wait3A_302 = arith.constant 0 : i32
    %dma_wait3A_303 = tpu.memref_slice %arg11[%dma_wait3A_301, %dma_wait3A_302] : memref<1000x64xi32, #tpu.memory_space<vmem_shared>> -> memref<1000x64xi32, #tpu.memory_space<vmem_shared>>
    tpu.wait_indirect_dma semaphore(%arg13 : memref<!tpu.dma_semaphore, #tpu.memory_space<semaphore_mem>>) src(%dma_wait3A_303 : memref<1000x64xi32, #tpu.memory_space<vmem_shared>>) dst(%dma_wait3A_297 : memref<128x64xi32, #tpu.memory_space<vmem>>)
    %add3A_304 = arith.constant 128 : i32
    %add3A_305 = arith.addi %mul3A_2, %add3A_304 : i32
    %dma_start3A_306 = arith.constant 1 : i32
    %dma_start3A_307 = arith.constant 0 : i32
    %dma_start3A_308 = arith.constant 0 : i32
    %dma_start3A_309 = tpu.memref_slice %arg9[%dma_start3A_306, %dma_start3A_307, %dma_start3A_308] : memref<4x128x64xi32, #tpu.memory_space<vmem>> -> memref<1x128x64xi32, #tpu.memory_space<vmem>>
    %dma_start3A_310 = tpu.memref_squeeze %dma_start3A_309 : memref<1x128x64xi32, #tpu.memory_space<vmem>> -> memref<128x64xi32, #tpu.memory_space<vmem>>
    %dma_start3A_311 = arith.constant 0 : i32
    %dma_start3A_312 = tpu.memref_slice %arg7[%add3A_305, %dma_start3A_311] : memref<16384x64xi32, #tpu.memory_space<hbm>> -> memref<128x64xi32, #tpu.memory_space<hbm>>
    %dma_start3A_313 = arith.constant 0 : i32
    %dma_start3A_314 = tpu.memref_slice %arg7[%add3A_305, %dma_start3A_313] : memref<16384x64xi32, #tpu.memory_space<hbm>> -> memref<128x64xi32, #tpu.memory_space<hbm>>
    %dma_start3A_315 = arith.constant 0 : i32
    %dma_start3A_316 = arith.constant 0 : i32
    %dma_start3A_317 = tpu.memref_slice %arg9[%dma_start3A_306, %dma_start3A_315, %dma_start3A_316] : memref<4x128x64xi32, #tpu.memory_space<vmem>> -> memref<1x128x64xi32, #tpu.memory_space<vmem>>
    %dma_start3A_318 = tpu.memref_squeeze %dma_start3A_317 : memref<1x128x64xi32, #tpu.memory_space<vmem>> -> memref<128x64xi32, #tpu.memory_space<vmem>>
    tpu.enqueue_dma source(%dma_start3A_318 : memref<128x64xi32, #tpu.memory_space<vmem>>) target(%dma_start3A_314 : memref<128x64xi32, #tpu.memory_space<hbm>>) target_semaphore(%arg17 : memref<!tpu.dma_semaphore, #tpu.memory_space<semaphore_mem>>)
    %dma_wait3A_319 = arith.constant 1 : i32
    %dma_wait3A_320 = arith.constant 2 : i32
    %dma_wait3A_321 = arith.constant 0 : i32
    %dma_wait3A_322 = arith.constant 0 : i32
    %dma_wait3A_323 = tpu.memref_slice %arg9[%dma_wait3A_320, %dma_wait3A_321, %dma_wait3A_322] : memref<4x128x64xi32, #tpu.memory_space<vmem>> -> memref<1x128x64xi32, #tpu.memory_space<vmem>>
    %dma_wait3A_324 = tpu.memref_squeeze %dma_wait3A_323 : memref<1x128x64xi32, #tpu.memory_space<vmem>> -> memref<128x64xi32, #tpu.memory_space<vmem>>
    %dma_wait3A_325 = arith.constant 256 : i32
    %dma_wait3A_326 = tpu.memref_slice %arg8[%dma_wait3A_319, %dma_wait3A_325] : memref<2x512xi32, #tpu.memory_space<vmem>> -> memref<1x128xi32, #tpu.memory_space<vmem>>
    %dma_wait3A_327 = tpu.memref_squeeze %dma_wait3A_326 : memref<1x128xi32, #tpu.memory_space<vmem>> -> memref<128xi32, #tpu.memory_space<vmem>>
    %dma_wait3A_328 = arith.constant 0 : i32
    %dma_wait3A_329 = arith.constant 0 : i32
    %dma_wait3A_330 = tpu.memref_slice %arg11[%dma_wait3A_328, %dma_wait3A_329] : memref<1000x64xi32, #tpu.memory_space<vmem_shared>> -> memref<1000x64xi32, #tpu.memory_space<vmem_shared>>
    tpu.wait_indirect_dma semaphore(%arg14 : memref<!tpu.dma_semaphore, #tpu.memory_space<semaphore_mem>>) src(%dma_wait3A_330 : memref<1000x64xi32, #tpu.memory_space<vmem_shared>>) dst(%dma_wait3A_324 : memref<128x64xi32, #tpu.memory_space<vmem>>)
    %add3A_331 = arith.constant 256 : i32
    %add3A_332 = arith.addi %mul3A_2, %add3A_331 : i32
    %dma_start3A_333 = arith.constant 2 : i32
    %dma_start3A_334 = arith.constant 0 : i32
    %dma_start3A_335 = arith.constant 0 : i32
    %dma_start3A_336 = tpu.memref_slice %arg9[%dma_start3A_333, %dma_start3A_334, %dma_start3A_335] : memref<4x128x64xi32, #tpu.memory_space<vmem>> -> memref<1x128x64xi32, #tpu.memory_space<vmem>>
    %dma_start3A_337 = tpu.memref_squeeze %dma_start3A_336 : memref<1x128x64xi32, #tpu.memory_space<vmem>> -> memref<128x64xi32, #tpu.memory_space<vmem>>
    %dma_start3A_338 = arith.constant 0 : i32
    %dma_start3A_339 = tpu.memref_slice %arg7[%add3A_332, %dma_start3A_338] : memref<16384x64xi32, #tpu.memory_space<hbm>> -> memref<128x64xi32, #tpu.memory_space<hbm>>
    %dma_start3A_340 = arith.constant 0 : i32
    %dma_start3A_341 = tpu.memref_slice %arg7[%add3A_332, %dma_start3A_340] : memref<16384x64xi32, #tpu.memory_space<hbm>> -> memref<128x64xi32, #tpu.memory_space<hbm>>
    %dma_start3A_342 = arith.constant 0 : i32
    %dma_start3A_343 = arith.constant 0 : i32
    %dma_start3A_344 = tpu.memref_slice %arg9[%dma_start3A_333, %dma_start3A_342, %dma_start3A_343] : memref<4x128x64xi32, #tpu.memory_space<vmem>> -> memref<1x128x64xi32, #tpu.memory_space<vmem>>
    %dma_start3A_345 = tpu.memref_squeeze %dma_start3A_344 : memref<1x128x64xi32, #tpu.memory_space<vmem>> -> memref<128x64xi32, #tpu.memory_space<vmem>>
    tpu.enqueue_dma source(%dma_start3A_345 : memref<128x64xi32, #tpu.memory_space<vmem>>) target(%dma_start3A_341 : memref<128x64xi32, #tpu.memory_space<hbm>>) target_semaphore(%arg18 : memref<!tpu.dma_semaphore, #tpu.memory_space<semaphore_mem>>)
    %dma_wait3A_346 = arith.constant 1 : i32
    %dma_wait3A_347 = arith.constant 3 : i32
    %dma_wait3A_348 = arith.constant 0 : i32
    %dma_wait3A_349 = arith.constant 0 : i32
    %dma_wait3A_350 = tpu.memref_slice %arg9[%dma_wait3A_347, %dma_wait3A_348, %dma_wait3A_349] : memref<4x128x64xi32, #tpu.memory_space<vmem>> -> memref<1x128x64xi32, #tpu.memory_space<vmem>>
    %dma_wait3A_351 = tpu.memref_squeeze %dma_wait3A_350 : memref<1x128x64xi32, #tpu.memory_space<vmem>> -> memref<128x64xi32, #tpu.memory_space<vmem>>
    %dma_wait3A_352 = arith.constant 384 : i32
    %dma_wait3A_353 = tpu.memref_slice %arg8[%dma_wait3A_346, %dma_wait3A_352] : memref<2x512xi32, #tpu.memory_space<vmem>> -> memref<1x128xi32, #tpu.memory_space<vmem>>
    %dma_wait3A_354 = tpu.memref_squeeze %dma_wait3A_353 : memref<1x128xi32, #tpu.memory_space<vmem>> -> memref<128xi32, #tpu.memory_space<vmem>>
    %dma_wait3A_355 = arith.constant 0 : i32
    %dma_wait3A_356 = arith.constant 0 : i32
    %dma_wait3A_357 = tpu.memref_slice %arg11[%dma_wait3A_355, %dma_wait3A_356] : memref<1000x64xi32, #tpu.memory_space<vmem_shared>> -> memref<1000x64xi32, #tpu.memory_space<vmem_shared>>
    tpu.wait_indirect_dma semaphore(%arg15 : memref<!tpu.dma_semaphore, #tpu.memory_space<semaphore_mem>>) src(%dma_wait3A_357 : memref<1000x64xi32, #tpu.memory_space<vmem_shared>>) dst(%dma_wait3A_351 : memref<128x64xi32, #tpu.memory_space<vmem>>)
    %add3A_358 = arith.constant 384 : i32
    %add3A_359 = arith.addi %mul3A_2, %add3A_358 : i32
    %dma_start3A_360 = arith.constant 3 : i32
    %dma_start3A_361 = arith.constant 0 : i32
    %dma_start3A_362 = arith.constant 0 : i32
    %dma_start3A_363 = tpu.memref_slice %arg9[%dma_start3A_360, %dma_start3A_361, %dma_start3A_362] : memref<4x128x64xi32, #tpu.memory_space<vmem>> -> memref<1x128x64xi32, #tpu.memory_space<vmem>>
    %dma_start3A_364 = tpu.memref_squeeze %dma_start3A_363 : memref<1x128x64xi32, #tpu.memory_space<vmem>> -> memref<128x64xi32, #tpu.memory_space<vmem>>
    %dma_start3A_365 = arith.constant 0 : i32
    %dma_start3A_366 = tpu.memref_slice %arg7[%add3A_359, %dma_start3A_365] : memref<16384x64xi32, #tpu.memory_space<hbm>> -> memref<128x64xi32, #tpu.memory_space<hbm>>
    %dma_start3A_367 = arith.constant 0 : i32
    %dma_start3A_368 = tpu.memref_slice %arg7[%add3A_359, %dma_start3A_367] : memref<16384x64xi32, #tpu.memory_space<hbm>> -> memref<128x64xi32, #tpu.memory_space<hbm>>
    %dma_start3A_369 = arith.constant 0 : i32
    %dma_start3A_370 = arith.constant 0 : i32
    %dma_start3A_371 = tpu.memref_slice %arg9[%dma_start3A_360, %dma_start3A_369, %dma_start3A_370] : memref<4x128x64xi32, #tpu.memory_space<vmem>> -> memref<1x128x64xi32, #tpu.memory_space<vmem>>
    %dma_start3A_372 = tpu.memref_squeeze %dma_start3A_371 : memref<1x128x64xi32, #tpu.memory_space<vmem>> -> memref<128x64xi32, #tpu.memory_space<vmem>>
    tpu.enqueue_dma source(%dma_start3A_372 : memref<128x64xi32, #tpu.memory_space<vmem>>) target(%dma_start3A_368 : memref<128x64xi32, #tpu.memory_space<hbm>>) target_semaphore(%arg19 : memref<!tpu.dma_semaphore, #tpu.memory_space<semaphore_mem>>)
    %dma_wait3A_373 = arith.constant 0 : i32
    %dma_wait3A_374 = arith.constant 0 : i32
    %dma_wait3A_375 = arith.constant 0 : i32
    %dma_wait3A_376 = tpu.memref_slice %arg9[%dma_wait3A_373, %dma_wait3A_374, %dma_wait3A_375] : memref<4x128x64xi32, #tpu.memory_space<vmem>> -> memref<1x128x64xi32, #tpu.memory_space<vmem>>
    %dma_wait3A_377 = tpu.memref_squeeze %dma_wait3A_376 : memref<1x128x64xi32, #tpu.memory_space<vmem>> -> memref<128x64xi32, #tpu.memory_space<vmem>>
    %dma_wait3A_378 = arith.constant 0 : i32
    %dma_wait3A_379 = tpu.memref_slice %arg7[%add3A_278, %dma_wait3A_378] : memref<16384x64xi32, #tpu.memory_space<hbm>> -> memref<128x64xi32, #tpu.memory_space<hbm>>
    %dma_wait3A_380 = arith.constant 0 : i32
    %dma_wait3A_381 = tpu.memref_slice %arg7[%add3A_278, %dma_wait3A_380] : memref<16384x64xi32, #tpu.memory_space<hbm>> -> memref<128x64xi32, #tpu.memory_space<hbm>>
    %dma_wait3A_382 = arith.constant 0 : i32
    %dma_wait3A_383 = arith.constant 0 : i32
    %dma_wait3A_384 = tpu.memref_slice %arg9[%dma_wait3A_373, %dma_wait3A_382, %dma_wait3A_383] : memref<4x128x64xi32, #tpu.memory_space<vmem>> -> memref<1x128x64xi32, #tpu.memory_space<vmem>>
    %dma_wait3A_385 = tpu.memref_squeeze %dma_wait3A_384 : memref<1x128x64xi32, #tpu.memory_space<vmem>> -> memref<128x64xi32, #tpu.memory_space<vmem>>
    tpu.wait_dma2 semaphore(%arg16 : memref<!tpu.dma_semaphore, #tpu.memory_space<semaphore_mem>>) src(%dma_wait3A_385 : memref<128x64xi32, #tpu.memory_space<vmem>>) dst(%dma_wait3A_381 : memref<128x64xi32, #tpu.memory_space<hbm>>)
    %dma_wait3A_386 = arith.constant 1 : i32
    %dma_wait3A_387 = arith.constant 0 : i32
    %dma_wait3A_388 = arith.constant 0 : i32
    %dma_wait3A_389 = tpu.memref_slice %arg9[%dma_wait3A_386, %dma_wait3A_387, %dma_wait3A_388] : memref<4x128x64xi32, #tpu.memory_space<vmem>> -> memref<1x128x64xi32, #tpu.memory_space<vmem>>
    %dma_wait3A_390 = tpu.memref_squeeze %dma_wait3A_389 : memref<1x128x64xi32, #tpu.memory_space<vmem>> -> memref<128x64xi32, #tpu.memory_space<vmem>>
    %dma_wait3A_391 = arith.constant 0 : i32
    %dma_wait3A_392 = tpu.memref_slice %arg7[%add3A_305, %dma_wait3A_391] : memref<16384x64xi32, #tpu.memory_space<hbm>> -> memref<128x64xi32, #tpu.memory_space<hbm>>
    %dma_wait3A_393 = arith.constant 0 : i32
    %dma_wait3A_394 = tpu.memref_slice %arg7[%add3A_305, %dma_wait3A_393] : memref<16384x64xi32, #tpu.memory_space<hbm>> -> memref<128x64xi32, #tpu.memory_space<hbm>>
    %dma_wait3A_395 = arith.constant 0 : i32
    %dma_wait3A_396 = arith.constant 0 : i32
    %dma_wait3A_397 = tpu.memref_slice %arg9[%dma_wait3A_386, %dma_wait3A_395, %dma_wait3A_396] : memref<4x128x64xi32, #tpu.memory_space<vmem>> -> memref<1x128x64xi32, #tpu.memory_space<vmem>>
    %dma_wait3A_398 = tpu.memref_squeeze %dma_wait3A_397 : memref<1x128x64xi32, #tpu.memory_space<vmem>> -> memref<128x64xi32, #tpu.memory_space<vmem>>
    tpu.wait_dma2 semaphore(%arg17 : memref<!tpu.dma_semaphore, #tpu.memory_space<semaphore_mem>>) src(%dma_wait3A_398 : memref<128x64xi32, #tpu.memory_space<vmem>>) dst(%dma_wait3A_394 : memref<128x64xi32, #tpu.memory_space<hbm>>)
    %dma_wait3A_399 = arith.constant 2 : i32
    %dma_wait3A_400 = arith.constant 0 : i32
    %dma_wait3A_401 = arith.constant 0 : i32
    %dma_wait3A_402 = tpu.memref_slice %arg9[%dma_wait3A_399, %dma_wait3A_400, %dma_wait3A_401] : memref<4x128x64xi32, #tpu.memory_space<vmem>> -> memref<1x128x64xi32, #tpu.memory_space<vmem>>
    %dma_wait3A_403 = tpu.memref_squeeze %dma_wait3A_402 : memref<1x128x64xi32, #tpu.memory_space<vmem>> -> memref<128x64xi32, #tpu.memory_space<vmem>>
    %dma_wait3A_404 = arith.constant 0 : i32
    %dma_wait3A_405 = tpu.memref_slice %arg7[%add3A_332, %dma_wait3A_404] : memref<16384x64xi32, #tpu.memory_space<hbm>> -> memref<128x64xi32, #tpu.memory_space<hbm>>
    %dma_wait3A_406 = arith.constant 0 : i32
    %dma_wait3A_407 = tpu.memref_slice %arg7[%add3A_332, %dma_wait3A_406] : memref<16384x64xi32, #tpu.memory_space<hbm>> -> memref<128x64xi32, #tpu.memory_space<hbm>>
    %dma_wait3A_408 = arith.constant 0 : i32
    %dma_wait3A_409 = arith.constant 0 : i32
    %dma_wait3A_410 = tpu.memref_slice %arg9[%dma_wait3A_399, %dma_wait3A_408, %dma_wait3A_409] : memref<4x128x64xi32, #tpu.memory_space<vmem>> -> memref<1x128x64xi32, #tpu.memory_space<vmem>>
    %dma_wait3A_411 = tpu.memref_squeeze %dma_wait3A_410 : memref<1x128x64xi32, #tpu.memory_space<vmem>> -> memref<128x64xi32, #tpu.memory_space<vmem>>
    tpu.wait_dma2 semaphore(%arg18 : memref<!tpu.dma_semaphore, #tpu.memory_space<semaphore_mem>>) src(%dma_wait3A_411 : memref<128x64xi32, #tpu.memory_space<vmem>>) dst(%dma_wait3A_407 : memref<128x64xi32, #tpu.memory_space<hbm>>)
    %dma_wait3A_412 = arith.constant 3 : i32
    %dma_wait3A_413 = arith.constant 0 : i32
    %dma_wait3A_414 = arith.constant 0 : i32
    %dma_wait3A_415 = tpu.memref_slice %arg9[%dma_wait3A_412, %dma_wait3A_413, %dma_wait3A_414] : memref<4x128x64xi32, #tpu.memory_space<vmem>> -> memref<1x128x64xi32, #tpu.memory_space<vmem>>
    %dma_wait3A_416 = tpu.memref_squeeze %dma_wait3A_415 : memref<1x128x64xi32, #tpu.memory_space<vmem>> -> memref<128x64xi32, #tpu.memory_space<vmem>>
    %dma_wait3A_417 = arith.constant 0 : i32
    %dma_wait3A_418 = tpu.memref_slice %arg7[%add3A_359, %dma_wait3A_417] : memref<16384x64xi32, #tpu.memory_space<hbm>> -> memref<128x64xi32, #tpu.memory_space<hbm>>
    %dma_wait3A_419 = arith.constant 0 : i32
    %dma_wait3A_420 = tpu.memref_slice %arg7[%add3A_359, %dma_wait3A_419] : memref<16384x64xi32, #tpu.memory_space<hbm>> -> memref<128x64xi32, #tpu.memory_space<hbm>>
    %dma_wait3A_421 = arith.constant 0 : i32
    %dma_wait3A_422 = arith.constant 0 : i32
    %dma_wait3A_423 = tpu.memref_slice %arg9[%dma_wait3A_412, %dma_wait3A_421, %dma_wait3A_422] : memref<4x128x64xi32, #tpu.memory_space<vmem>> -> memref<1x128x64xi32, #tpu.memory_space<vmem>>
    %dma_wait3A_424 = tpu.memref_squeeze %dma_wait3A_423 : memref<1x128x64xi32, #tpu.memory_space<vmem>> -> memref<128x64xi32, #tpu.memory_space<vmem>>
    tpu.wait_dma2 semaphore(%arg19 : memref<!tpu.dma_semaphore, #tpu.memory_space<semaphore_mem>>) src(%dma_wait3A_424 : memref<128x64xi32, #tpu.memory_space<vmem>>) dst(%dma_wait3A_420 : memref<128x64xi32, #tpu.memory_space<hbm>>)
    return
  }
}

module attributes {stable_mosaic.version = 14 : i64} {
  func.func @_mlp_body(%arg0: i32, %arg1: memref<4096x64xi32, #tpu.memory_space<vmem>>, %arg2: memref<4096x64xi32, #tpu.memory_space<vmem>>, %arg3: memref<512x256xf32, #tpu.memory_space<vmem>>, %arg4: memref<256x512xf32, #tpu.memory_space<vmem>>, %arg5: memref<1x512xf32, #tpu.memory_space<vmem>>, %arg6: memref<1x256xf32, #tpu.memory_space<vmem>>, %arg7: memref<4096x256xf32, #tpu.memory_space<vmem>>) attributes {dimension_semantics = [#tpu.dimension_semantics<parallel>], iteration_bounds = array<i64: 4>, scalar_prefetch = 0 : i64, scratch_operands = 0 : i64, tpu.core_type = #tpu.core_type<tc>, window_params = [{transform_indices = @transform_0, window_bounds = array<i64: 4096, 64>}, {transform_indices = @transform_1, window_bounds = array<i64: 4096, 64>}, {pipeline_mode = #tpu.pipeline_mode<synchronous>, transform_indices = @transform_2, window_bounds = array<i64: 512, 256>}, {pipeline_mode = #tpu.pipeline_mode<synchronous>, transform_indices = @transform_3, window_bounds = array<i64: 256, 512>}, {pipeline_mode = #tpu.pipeline_mode<synchronous>, transform_indices = @transform_4, window_bounds = array<i64: 1, 512>}, {pipeline_mode = #tpu.pipeline_mode<synchronous>, transform_indices = @transform_5, window_bounds = array<i64: 1, 256>}, {transform_indices = @transform_6, window_bounds = array<i64: 4096, 256>}]} {
    %get3A = arith.constant 0 : index
    %get3A_0 = arith.constant 0 : index
    %get3A_1 = vector.load %arg1[%get3A, %get3A_0] : memref<4096x64xi32, #tpu.memory_space<vmem>>, vector<4096x64xi32>
    %shift_left3A = arith.constant 16 : i32
    %shift_left3A_2 = vector.broadcast %shift_left3A : i32 to vector<4096x64xi32>
    %shift_left3A_3 = arith.shli %get3A_1, %shift_left3A_2 : vector<4096x64xi32>
    %bitcast_convert_type3A = tpu.bitcast %shift_left3A_3 : vector<4096x64xi32> -> vector<4096x64xf32>
    %convert_element_type3A = arith.truncf %bitcast_convert_type3A : vector<4096x64xf32> to vector<4096x64xbf16>
    %and3A = arith.constant -65536 : i32
    %and3A_4 = vector.broadcast %and3A : i32 to vector<4096x64xi32>
    %and3A_5 = arith.andi %get3A_1, %and3A_4 : vector<4096x64xi32>
    %bitcast_convert_type3A_6 = tpu.bitcast %and3A_5 : vector<4096x64xi32> -> vector<4096x64xf32>
    %convert_element_type3A_7 = arith.truncf %bitcast_convert_type3A_6 : vector<4096x64xf32> to vector<4096x64xbf16>
    %get3A_8 = arith.constant 0 : index
    %get3A_9 = arith.constant 0 : index
    %get3A_10 = vector.load %arg2[%get3A_8, %get3A_9] : memref<4096x64xi32, #tpu.memory_space<vmem>>, vector<4096x64xi32>
    %shift_left3A_11 = arith.constant 16 : i32
    %shift_left3A_12 = vector.broadcast %shift_left3A_11 : i32 to vector<4096x64xi32>
    %shift_left3A_13 = arith.shli %get3A_10, %shift_left3A_12 : vector<4096x64xi32>
    %bitcast_convert_type3A_14 = tpu.bitcast %shift_left3A_13 : vector<4096x64xi32> -> vector<4096x64xf32>
    %convert_element_type3A_15 = arith.truncf %bitcast_convert_type3A_14 : vector<4096x64xf32> to vector<4096x64xbf16>
    %and3A_16 = arith.constant -65536 : i32
    %and3A_17 = vector.broadcast %and3A_16 : i32 to vector<4096x64xi32>
    %and3A_18 = arith.andi %get3A_10, %and3A_17 : vector<4096x64xi32>
    %bitcast_convert_type3A_19 = tpu.bitcast %and3A_18 : vector<4096x64xi32> -> vector<4096x64xf32>
    %convert_element_type3A_20 = arith.truncf %bitcast_convert_type3A_19 : vector<4096x64xf32> to vector<4096x64xbf16>
    %concatenate3A = tpu.concatenate %convert_element_type3A, %convert_element_type3A_7, %convert_element_type3A_15, %convert_element_type3A_20 in 1 : vector<4096x64xbf16>, vector<4096x64xbf16>, vector<4096x64xbf16>, vector<4096x64xbf16> -> vector<4096x256xbf16>
    %get3A_21 = arith.constant 0 : index
    %get3A_22 = arith.constant 0 : index
    %get3A_23 = vector.load %arg3[%get3A_21, %get3A_22] : memref<512x256xf32, #tpu.memory_space<vmem>>, vector<512x256xf32>
    %convert_element_type3A_24 = arith.truncf %get3A_23 : vector<512x256xf32> to vector<512x256xbf16>
    %dot_general3A = arith.constant dense<0.000000e+00> : vector<4096x512xf32>
    %dot_general3A_25 = tpu.matmul %concatenate3A, %convert_element_type3A_24, %dot_general3A {dimension_numbers = #tpu.dot_dimension_numbers<[1], [1], [0], [0], [0, 0, 1, 0], [], []>, transpose_lhs_hint = false} : vector<4096x256xbf16>, vector<512x256xbf16>, vector<4096x512xf32> -> vector<4096x512xf32>
    %convert_element_type3A_26 = arith.truncf %dot_general3A_25 : vector<4096x512xf32> to vector<4096x512xbf16>
    %get3A_27 = arith.constant 0 : index
    %get3A_28 = arith.constant 0 : index
    %get3A_29 = vector.load %arg5[%get3A_27, %get3A_28] : memref<1x512xf32, #tpu.memory_space<vmem>>, vector<1x512xf32>
    %convert_element_type3A_30 = arith.truncf %get3A_29 : vector<1x512xf32> to vector<1x512xbf16>
    %add3A = vector.broadcast %convert_element_type3A_30 : vector<1x512xbf16> to vector<4096x512xbf16>
    %add3A_31 = arith.addf %convert_element_type3A_26, %add3A : vector<4096x512xbf16>
    %max3A = arith.constant 0.000000e+00 : bf16
    %max3A_32 = vector.broadcast %max3A : bf16 to vector<4096x512xbf16>
    %max3A_33 = arith.maximumf %add3A_31, %max3A_32 : vector<4096x512xbf16>
    %get3A_34 = arith.constant 0 : index
    %get3A_35 = arith.constant 0 : index
    %get3A_36 = vector.load %arg4[%get3A_34, %get3A_35] : memref<256x512xf32, #tpu.memory_space<vmem>>, vector<256x512xf32>
    %convert_element_type3A_37 = arith.truncf %get3A_36 : vector<256x512xf32> to vector<256x512xbf16>
    %dot_general3A_38 = arith.constant dense<0.000000e+00> : vector<4096x256xf32>
    %dot_general3A_39 = tpu.matmul %max3A_33, %convert_element_type3A_37, %dot_general3A_38 {dimension_numbers = #tpu.dot_dimension_numbers<[1], [1], [0], [0], [0, 0, 1, 0], [], []>, transpose_lhs_hint = false} : vector<4096x512xbf16>, vector<256x512xbf16>, vector<4096x256xf32> -> vector<4096x256xf32>
    %get3A_40 = arith.constant 0 : index
    %get3A_41 = arith.constant 0 : index
    %get3A_42 = vector.load %arg6[%get3A_40, %get3A_41] : memref<1x256xf32, #tpu.memory_space<vmem>>, vector<1x256xf32>
    %add3A_43 = vector.broadcast %get3A_42 : vector<1x256xf32> to vector<4096x256xf32>
    %add3A_44 = arith.addf %dot_general3A_39, %add3A_43 : vector<4096x256xf32>
    %swap3A = arith.constant 0 : index
    %swap3A_45 = arith.constant 0 : index
    %swap3A_46 = vector.load %arg7[%swap3A, %swap3A_45] : memref<4096x256xf32, #tpu.memory_space<vmem>>, vector<4096x256xf32>
    tpu.vector_store %arg7[%swap3A, %swap3A_45], %add3A_44 {strides = array<i32>} : memref<4096x256xf32, #tpu.memory_space<vmem>>, vector<4096x256xf32>,
    return
  }
  func.func @transform_0(%arg0: i32) -> (i32, i32) {
    %c0_i32 = arith.constant 0 : i32
    %c0_i32_0 = arith.constant 0 : i32
    return %arg0, %c0_i32 : i32, i32
  }
  func.func @transform_1(%arg0: i32) -> (i32, i32) {
    %c0_i32 = arith.constant 0 : i32
    %c0_i32_0 = arith.constant 0 : i32
    return %arg0, %c0_i32 : i32, i32
  }
  func.func @transform_2(%arg0: i32) -> (i32, i32) {
    %c0_i32 = arith.constant 0 : i32
    %c0_i32_0 = arith.constant 0 : i32
    %c0_i32_1 = arith.constant 0 : i32
    return %c0_i32, %c0_i32_0 : i32, i32
  }
  func.func @transform_3(%arg0: i32) -> (i32, i32) {
    %c0_i32 = arith.constant 0 : i32
    %c0_i32_0 = arith.constant 0 : i32
    %c0_i32_1 = arith.constant 0 : i32
    return %c0_i32, %c0_i32_0 : i32, i32
  }
  func.func @transform_4(%arg0: i32) -> (i32, i32) {
    %c0_i32 = arith.constant 0 : i32
    %c0_i32_0 = arith.constant 0 : i32
    %c0_i32_1 = arith.constant 0 : i32
    return %c0_i32, %c0_i32_0 : i32, i32
  }
  func.func @transform_5(%arg0: i32) -> (i32, i32) {
    %c0_i32 = arith.constant 0 : i32
    %c0_i32_0 = arith.constant 0 : i32
    %c0_i32_1 = arith.constant 0 : i32
    return %c0_i32, %c0_i32_0 : i32, i32
  }
  func.func @transform_6(%arg0: i32) -> (i32, i32) {
    %c0_i32 = arith.constant 0 : i32
    %c0_i32_0 = arith.constant 0 : i32
    return %arg0, %c0_i32 : i32, i32
  }
}

module attributes {stable_mosaic.version = 14 : i64} {
  func.func @_pack_tables_body(%arg0: memref<1000x128xf32, #tpu.memory_space<vmem>>, %arg1: memref<1000x128xf32, #tpu.memory_space<vmem>>, %arg2: memref<1000x64xi32, #tpu.memory_space<vmem>>, %arg3: memref<1000x64xi32, #tpu.memory_space<vmem>>) attributes {dimension_semantics = [], scalar_prefetch = 0 : i64, scratch_operands = 0 : i64, tpu.core_type = #tpu.core_type<tc>} {
    %get3A = arith.constant 0 : index
    %get3A_0 = arith.constant 0 : index
    %get3A_1 = vector.load %arg0[%get3A, %get3A_0] : memref<1000x128xf32, #tpu.memory_space<vmem>>, vector<1000x128xf32>
    %convert_element_type3A = arith.truncf %get3A_1 : vector<1000x128xf32> to vector<1000x128xbf16>
    %bitcast_convert_type3A = tpu.bitcast %convert_element_type3A : vector<1000x128xbf16> -> vector<1000x128xi16>
    %slice3A = vector.extract_strided_slice %bitcast_convert_type3A {offsets = [0, 0], sizes = [1000, 64], strides = [1, 1]} : vector<1000x128xi16> to vector<1000x64xi16>
    %convert_element_type3A_2 = arith.extsi %slice3A : vector<1000x64xi16> to vector<1000x64xi32>
    %and3A = arith.constant 65535 : i32
    %and3A_3 = vector.broadcast %and3A : i32 to vector<1000x64xi32>
    %and3A_4 = arith.andi %convert_element_type3A_2, %and3A_3 : vector<1000x64xi32>
    %slice3A_5 = vector.extract_strided_slice %bitcast_convert_type3A {offsets = [0, 64], sizes = [1000, 64], strides = [1, 1]} : vector<1000x128xi16> to vector<1000x64xi16>
    %convert_element_type3A_6 = arith.extsi %slice3A_5 : vector<1000x64xi16> to vector<1000x64xi32>
    %shift_left3A = arith.constant 16 : i32
    %shift_left3A_7 = vector.broadcast %shift_left3A : i32 to vector<1000x64xi32>
    %shift_left3A_8 = arith.shli %convert_element_type3A_6, %shift_left3A_7 : vector<1000x64xi32>
    %or3A = arith.ori %and3A_4, %shift_left3A_8 : vector<1000x64xi32>
    %swap3A = arith.constant 0 : index
    %swap3A_9 = arith.constant 0 : index
    %swap3A_10 = vector.load %arg2[%swap3A, %swap3A_9] : memref<1000x64xi32, #tpu.memory_space<vmem>>, vector<1000x64xi32>
    tpu.vector_store %arg2[%swap3A, %swap3A_9], %or3A {strides = array<i32>} : memref<1000x64xi32, #tpu.memory_space<vmem>>, vector<1000x64xi32>,
    %get3A_11 = arith.constant 0 : index
    %get3A_12 = arith.constant 0 : index
    %get3A_13 = vector.load %arg1[%get3A_11, %get3A_12] : memref<1000x128xf32, #tpu.memory_space<vmem>>, vector<1000x128xf32>
    %convert_element_type3A_14 = arith.truncf %get3A_13 : vector<1000x128xf32> to vector<1000x128xbf16>
    %bitcast_convert_type3A_15 = tpu.bitcast %convert_element_type3A_14 : vector<1000x128xbf16> -> vector<1000x128xi16>
    %slice3A_16 = vector.extract_strided_slice %bitcast_convert_type3A_15 {offsets = [0, 0], sizes = [1000, 64], strides = [1, 1]} : vector<1000x128xi16> to vector<1000x64xi16>
    %convert_element_type3A_17 = arith.extsi %slice3A_16 : vector<1000x64xi16> to vector<1000x64xi32>
    %and3A_18 = arith.constant 65535 : i32
    %and3A_19 = vector.broadcast %and3A_18 : i32 to vector<1000x64xi32>
    %and3A_20 = arith.andi %convert_element_type3A_17, %and3A_19 : vector<1000x64xi32>
    %slice3A_21 = vector.extract_strided_slice %bitcast_convert_type3A_15 {offsets = [0, 64], sizes = [1000, 64], strides = [1, 1]} : vector<1000x128xi16> to vector<1000x64xi16>
    %convert_element_type3A_22 = arith.extsi %slice3A_21 : vector<1000x64xi16> to vector<1000x64xi32>
    %shift_left3A_23 = arith.constant 16 : i32
    %shift_left3A_24 = vector.broadcast %shift_left3A_23 : i32 to vector<1000x64xi32>
    %shift_left3A_25 = arith.shli %convert_element_type3A_22, %shift_left3A_24 : vector<1000x64xi32>
    %or3A_26 = arith.ori %and3A_20, %shift_left3A_25 : vector<1000x64xi32>
    %swap3A_27 = arith.constant 0 : index
    %swap3A_28 = arith.constant 0 : index
    %swap3A_29 = vector.load %arg3[%swap3A_27, %swap3A_28] : memref<1000x64xi32, #tpu.memory_space<vmem>>, vector<1000x64xi32>
    tpu.vector_store %arg3[%swap3A_27, %swap3A_28], %or3A_26 {strides = array<i32>} : memref<1000x64xi32, #tpu.memory_space<vmem>>, vector<1000x64xi32>,
    return
  }
}

</mosaic_0001>

<sc_bundles>
// kernel: kernel.5.cloned.1.call-start
scs
__scs_entry_jumppad:
0x0: {  	(pc) =	sbr.rel $0x88, $3  }
0x1: {  	(tag) =	ssettag $0x0;
	lr =	simm.s32 $0x1  }
0x2: {  	[smem:$0x3F9A] =	sst lr;
	_ =	strace $0xD0000000  }
0x3: {  	_ = 	snop  }
0x4: {  	_ = 	snop  }
0x5: {  	_ = 	snop  }
0x6: {  	_ = 	snop  }
0x7: {  	_ = 	snop  }
__scs_overlays_trampoline_lowered:
0x8: {  	[smem:$0x3FA9] =	sst s0  }
0x9: {  	[smem:$0x3FAA] =	sst s1  }
0xa: {  	[smem:$0x3FAB] =	sst s2  }
0xb: {  	[smem:$0x3FAC] =	sst s3  }
0xc: {  	[smem:$0x3FAD] =	sst s4  }
0xd: {  	[smem:$0x3FAE] =	sst s5  }
0xe: {  	[smem:$0x3FAF] =	sst s6  }
0xf: {  	[smem:$0x3FB0] =	sst s7  }
0x10: {  	[smem:$0x3FB1] =	sst s8  }
0x11: {  	[smem:$0x3FB2] =	sst s9;
	s0 =	simm.s32 @!p0 $0x0  }
0x12: {  	s1 =	sld [smem:$0x3F98];
	s0 =	simm.s32 @p0 $0x1  }
0x13: {  	[smem:$0x3FB3] =	sst s0;
	s0 =	simm.s32 @!p1 $0x0  }
0x14: {  	s2 =	sld [smem:$0x3F97];
	s0 =	simm.s32 @p1 $0x1  }
0x15: {  	[smem:$0x3FB4] =	sst s0;
	s0 =	simm.s32 @!p2 $0x0  }
0x16: {  	s3 =	sld [smem:$0x3FDB];
	s0 =	simm.s32 @p2 $0x1  }
0x17: {  	s4 =	simm.s32 $0x1BF5;
	[smem:$0x3FB6] =	sst s0  }
0x18: {  	s0 =	sld [smem:$0x3F99];
	_ =	swait.ge [sflag:s4], $0x0  }
0x19: {  	s7 =	sld [smem:$0x3F9A]  }
0x1a: {  	s8 =	sadd.s32 $0xFFFFE003, lr  }
0x1b: {  	s9 =	sadd.s32 $0xFFFFFEF7, lr;
	s5 =	simm.s32 $0xFFFFFFFF;
	p2 =	slt.u32 s8, $0xFFFFF086  }
0x1c: {  	p1 =	slt.u32 s9, $0xF7A;
	s5 =	simm.s32 @!p2 $0x0  }
0x1d: {  	s5 =	simm.s32 @p1 $0x1;
	p0 =	seq.s32 s7, s2  }
0x1e: {  	s7 =	smul.u32 @!p0 $0xF7A, s2;
	p2 =	seq.s32 @!p0 s5, $0x0  }
0x1f: {  	s9 =	smul.u32 $0xF7A, s1;
	s8 =	simm.s32 @!p0 $0x1BF5;
	p2 =	por !p2, p0  }
0x20: {  	[sflag:s8] =	ssyncset.s32 @!p0 $0xFFFFF086;
	s6 =	sadd.s32 @!p0 s3, s7;
	s7 =	simm.s32 @!p0 $0x108  }
0x21: {  	s3 =	sadd.s32 s3, s9;
	s6 =	sadd.s32 @!p0 $0x88, s6;
	s7 =	simm.s32 @p2 $0x1082  }
0x22: {  	[simem:s7], [sflag:s8] =	dma.local @!p0 [hbm:s6], $0xF7A  }
0x23: {  	s9 =	sor.u32 $0xD0000000, s2;
	s6 =	simm.s32 $0x108;
	_ =	swait.ge @!p0 [sflag:s8], $0x0  }
0x24: {  	s3 =	sadd.s32 $0x88, s3;
	s6 =	simm.s32 @!p1 $0x1082;
	[sflag:s4] =	ssyncset.s32 $0xFFFFF086  }
0x25: {  	[simem:s6], [sflag:s4] =	dma.local [hbm:s3], $0xF7A  }
0x26: {  	[smem:$0x3F9A] =	sst s1;
	(tag) =	ssettag s2;
	_ =	strace s9  }
0x27: {  	s1 =	sld [smem:$0x3FAA]  }
0x28: {  	s2 =	sld [smem:$0x3FAB]  }
0x29: {  	s4 =	sld [smem:$0x3FAD]  }
0x2a: {  	p0 =	seq.s32 s5, $0x0;
	s5 =	sld [smem:$0x3FAE]  }
0x2b: {  	s6 =	sld [smem:$0x3FAF]  }
0x2c: {  	s7 =	sld [smem:$0x3FB0]  }
0x2d: {  	s3 =	simm.s32 $0x108;
	s8 =	sld [smem:$0x3FB1]  }
0x2e: {  	s3 =	simm.s32 @!p0 $0x1082;
	s9 =	sld [smem:$0x3FB2]  }
0x2f: {  	lr =	sadd.s32 s0, s3;
	s0 =	sld [smem:$0x3FA9]  }
0x30: {  	s3 =	sld [smem:$0x3FAC]  }
0x31: {  	[smem:$0x3FB5] =	sst s10  }
0x32: {  	s10 =	sld [smem:$0x3FB3];
	_ =	sdelay $0x3  }
0x33: {  	p0 =	seq.s32 s10, $0x1;
	s10 =	sld [smem:$0x3FB5];
	_ =	sdelay $0x3  }
0x34: {  	[smem:$0x3FB5] =	sst s10  }
0x35: {  	s10 =	sld [smem:$0x3FB4];
	_ =	sdelay $0x3  }
0x36: {  	p1 =	seq.s32 s10, $0x1;
	s10 =	sld [smem:$0x3FB5];
	_ =	sdelay $0x3  }
0x37: {  	[smem:$0x3FB5] =	sst s10  }
0x38: {  	s10 =	sld [smem:$0x3FB6]  }
0x39: {  	_ = 	snop;
	(pc) =	sbr.ind lr, $3  }
0x3a: {  	_ = 	snop  }
0x3b: {  	_ = 	snop  }
0x3c: {  	p2 =	seq.s32 s10, $0x1;
	s10 =	sld [smem:$0x3FB5]  }
0x3d: {  	_ =	shalt  }
0x3e: {  	_ =	shalt  }
0x3f: {  	_ =	shalt  }
0x40: {  	_ =	shalt  }
0x41: {  	_ =	shalt  }
0x42: {  	_ =	shalt  }
0x43: {  	_ =	shalt  }
0x44: {  	_ =	shalt  }
0x45: {  	_ =	shalt  }
0x46: {  	_ =	shalt  }
0x47: {  	_ =	shalt  }
0x48: {  	_ =	shalt  }
0x49: {  	_ =	shalt  }
0x4a: {  	_ =	shalt  }
0x4b: {  	_ =	shalt  }
0x4c: {  	_ =	shalt  }
0x4d: {  	_ =	shalt  }
0x4e: {  	_ =	shalt  }
0x4f: {  	_ =	shalt  }
0x50: {  	_ =	shalt  }
0x51: {  	_ =	shalt  }
0x52: {  	_ =	shalt  }
0x53: {  	_ =	shalt  }
0x54: {  	_ =	shalt  }
0x55: {  	_ =	shalt  }
0x56: {  	_ =	shalt  }
0x57: {  	_ =	shalt  }
0x58: {  	_ =	shalt  }
0x59: {  	_ =	shalt  }
0x5a: {  	_ =	shalt  }
0x5b: {  	_ =	shalt  }
0x5c: {  	_ =	shalt  }
0x5d: {  	_ =	shalt  }
0x5e: {  	_ =	shalt  }
0x5f: {  	_ =	shalt  }
0x60: {  	_ =	shalt  }
0x61: {  	_ =	shalt  }
0x62: {  	_ =	shalt  }
0x63: {  	_ =	shalt  }
0x64: {  	_ =	shalt  }
0x65: {  	_ =	shalt  }
0x66: {  	_ =	shalt  }
0x67: {  	_ =	shalt  }
0x68: {  	_ =	shalt  }
0x69: {  	_ =	shalt  }
0x6a: {  	_ =	shalt  }
0x6b: {  	_ =	shalt  }
0x6c: {  	_ =	shalt  }
0x6d: {  	_ =	shalt  }
0x6e: {  	_ =	shalt  }
0x6f: {  	_ =	shalt  }
0x70: {  	_ =	shalt  }
0x71: {  	_ =	shalt  }
0x72: {  	_ =	shalt  }
0x73: {  	_ =	shalt  }
0x74: {  	_ =	shalt  }
0x75: {  	_ =	shalt  }
0x76: {  	_ =	shalt  }
0x77: {  	_ =	shalt  }
0x78: {  	_ =	shalt  }
0x79: {  	_ =	shalt  }
0x7a: {  	_ =	shalt  }
0x7b: {  	_ =	shalt  }
0x7c: {  	_ =	shalt  }
0x7d: {  	_ =	shalt  }
0x7e: {  	_ =	shalt  }
0x7f: {  	_ =	shalt  }
0x80: {  	_ =	shalt  }
0x81: {  	_ =	shalt  }
0x82: {  	_ =	shalt  }
0x83: {  	_ =	shalt  }
0x84: {  	_ =	shalt  }
0x85: {  	_ =	shalt  }
0x86: {  	_ =	shalt  }
0x87: {  	_ =	shalt  }
.Lfunc_end0:
.L_simem_size_0:
called_computation_lowered:
.L_overlay_start_0:
0x88: {  	s2 =	sld [smem:$0x3FD9]  }
0x89: {  	s3 =	sld [smem:$0x3FFE];
	_ =	sdelay $0x1  }
0x8a: {  	s1 =	srdreg.scid  }
0x8b: {  	s0 =	sand.u32 $0x1, s1  }
0x8c: {  	s17 =	sshll.u32 s0, $0xA;
	s2 =	sadd.s32 s3, s2  }
0x8d: {  	s2 =	sadd.s32 s2, s17  }
0x8e: {  	[smem:$0x3FC1] =	sst s2  }
0x8f: {  	_ = 	snop  }
0x90: {  	s2 =	sld [smem:$0x3FD0];
	(tm) =	ssettm $0x1  }
0x91: {  	s18 =	sld [smem:$0x3FFB];
	_ =	sdelay $0x3  }
0x92: {  	_ =	strace s18  }
0x93: {  	s3 =	sld [smem:$0x3FFC];
	_ =	sdelay $0x3  }
0x94: {  	_ =	strace s3  }
0x95: {  	s3 =	sld [smem:$0x3FFD];
	_ =	sdelay $0x3  }
0x96: {  	_ =	strace s3  }
0x97: {  	_ =	strace $0x8FFFFFFF  }
0x98: {  	s19 =	sld [smem:$0x3FDB];
	_ =	sdelay $0x1  }
0x99: {  	s4 =	simm.s32 $_scs_section_size  }
0x9a: {  	s5 =	simm.s32 $_size__tile_overlayer_lowered;
	s6 =	simm.s32 $_tile_overlayer_lowered  }
0x9b: {  	s22 =	simm.s32 $0x1BFF;
	s21 =	sshll.u32 s6, $0x1;
	s3 =	sadd.s32 s4, s19  }
0x9c: {  	s7 =	simm.s32 $0x0;
	s20 =	sshll.u32 s5, $0x1;
	s5 =	sadd.s32 s21, s3  }
0x9d: {  	[timem:s7], [sflag:s22] =	dma.local [hbm:s5], s20  }
0x9e: {  	_ =	swait.ge [sflag:s22], s20  }
0x9f: {  	s4 =	ssub.s32 $0x0, s20;
	[sflag:s22] =	ssyncset.done $0x0  }
0xa0: {  	[sflag:s22] =	ssyncadd.s32 s4;
	_ =	sdelay $0x1  }
0xa1: {  	s23 =	simm.s32 $0x1B8B  }
0xa2: {  	_ =	swait.ge [sflag:s23], $0x1  }
0xa3: {  	[sflag:s23] =	ssyncset.done $0x0  }
0xa4: {  	s25 =	simm.s32 $0x1B8E;
	s24 =	sld [smem:$0x3FFE];
	[sflag:s23] =	ssyncadd.s32 $0xFFFFFFFF  }
0xa5: {  	s26 =	simm.s32 $execute0_lowered;
	[smem:$0x3FD2] =	sst s25  }
0xa6: {  	s5 =	sshll.u32 s26, $0x1;
	_ =	strace $0x80000046;
	[dreg:$0x1] =	wrdreg $0xFFFFFFFF  }
0xa7: {  	s28 =	simm.s32 $_size_execute0_lowered;
	s3 =	sadd.s32 s3, s5;
	[dreg:$0x0] =	wrdreg $0x0  }
0xa8: {  	s5 =	sshll.u32 s28, $0x1;
	[dreg:$0x2] =	wrdreg s3  }
0xa9: {  	[dreg:$0x3] =	wrdreg s5  }
0xaa: {  	[dreg:$0x4] =	wrdreg $0xC0  }
0xab: {  	_ =	task [dreg:s7], $0x5FFFF  }
0xac: {  	[dreg:$0x1] =	wrdreg $0xFFFFFFFF  }
0xad: {  	[dreg:$0x0] =	wrdreg $0x60  }
0xae: {  	[dreg:$0x2] =	wrdreg s24  }
0xaf: {  	[dreg:$0x3] =	wrdreg s2  }
0xb0: {  	[dreg:$0x4] =	wrdreg $0x104000  }
0xb1: {  	[dreg:$0x5] =	wrdreg $0x113A00  }
0xb2: {  	[dreg:$0x6] =	wrdreg $0x9  }
0xb3: {  	_ =	task.clear_ibuf [dreg:s7], $0x7FFFF;
	_ =	strace $0x90000046  }
0xb4: {  	s29 =	simm.s32 $0x9;
	_ =	strace $0x80000048  }
0xb5: {  	_ =	swait.ge [sflag:s29], $0x1  }
0xb6: {  	[sflag:s29] =	ssyncadd.s32 $0xFFFFFFFF  }
0xb7: {  	_ =	strace $0x90000048  }
0xb8: {  	_ =	sfence  }
0xb9: {  	s30 =	sld [smem:$0x0];
	_ =	sdelay $0x2  }
0xba: {  	s31 =	sshll.u32 s1, $0xD;
	s1 =	sshrl.u32 s1, $0x2  }
0xbb: {  	s3 =	sand.u32 $0x4000, s31;
	s1 =	sadd.s32 s1, s30  }
0xbc: {  	s0 =	sor.u32 s3, s0;
	s1 =	sshll.u32 s1, $0x11  }
0xbd: {  	s0 =	sor.u32 s1, s0  }
0xbe: {  	s0 =	sadd.s32 $0x8F2B, s0  }
0xbf: {  	[sflag:s0] =	ssyncadd.remote.s32 $0x1  }
0xc0: {  	_ =	sfence.sel $0xFFFF  }
0xc1: {  	[dreg:$0x0] =	wrdreg $0xFFFFFFFF;
	(pc) =	sbr.abs _section_cstart, $3  }
0xc2: {  	[dreg:$0x1] =	wrdreg $0xFFFFFFFF  }
0xc3: {  	_ =	task.clear_ibuf [dreg:s7], $0x2FFFF;
	_ =	strace $0x9FFFFFFF  }
0xc4: {  	(tm) =	ssettm $0x7FFFFFFF  }
0xc5: {  	_ =	shalt  }
tec
execute0_lowered:
.L_overlay_start_1:
0x0: {  	(tag) =	ssettag $0x1  }
0x1: {  	s0 =	rddreg [dreg:$0x0]  }
0x2: {  	s4 =	rddreg [dreg:$0x1]  }
0x3: {  	s1 =	rddreg [dreg:$0x2]  }
0x4: {  	s2 =	rddreg [dreg:$0x3];
	s3 =	simm.s32 $0x0;
	s5 =	srdreg.scid  }
0x5: {  	s6 =	stileid.u32;
	s28 =	simm.s32 $0x380;
	s30 =	simm.s32 $0x400  }
0x6: {  	s31 =	simm.s32 $0x4400;
	s29 =	simm.s32 $0xC400;
	[smem:$0x7FF] =	sst s3  }
0x7: {  	s5 =	sand.u32 $0x1, s5;
	s7 =	sshll.u32 s6, $0xA;
	s9 =	sadd.s32 $0x3000, s0  }
0x8: {  	s17 =	sadd.s32 $0x7000, s0;
	p1 =	seq.s32 s6, $0x1;
	p0 =	sne.s32 s6, $0x0  }
0x9: {  	s6 =	simm.s32 $0x2;
	_ =	strace $0x80000047;
	[dreg:$0x5] =	wrdreg s9  }
0xa: {  	s8 =	sshll.u32 s5, $0x9;
	s5 =	ssub.s32 $0x2, s5;
	[dreg:$0x6] =	wrdreg s17  }
0xb: {  	s9 =	simm.s32 $0x3;
	s8 =	sor.u32 s8, s7;
	s19 =	sshrl.u32 s5, $0x1  }
0xc: {  	s18 =	sshrl.u32 s8, $0x3;
	s5 =	ssub.s32 s5, s19;
	s8 =	sshll.u32 s8, $0x4  }
0xd: {  	s10 =	sadd.s32 s18, s0;
	s0 =	sadd.s32 $0xB000, s0;
	s20 =	sadd.s32 s4, s8  }
0xe: {  	s21 =	sor.u32 $0x800, s8;
	s11 =	sor.u32 $0x1000, s8;
	s23 =	sor.u32 $0x1800, s8  }
0xf: {  	s16 =	smax.u32 s5, $0x1;
	s5 =	simm.s32 $0x5;
	s7 =	sadd.s32 $0x2800, s10  }
0x10: {  	[dreg:$0x8] =	wrdreg s20;
	s12 =	sadd.s32 s4, s21;
	s22 =	sadd.s32 s4, s11  }
0x11: {  	s4 =	sadd.s32 s4, s23;
	s24 =	sadd.s32 s0, s8;
	s25 =	sadd.s32 s0, s21  }
0x12: {  	s26 =	sadd.s32 s0, s11;
	s15 =	sadd.s32 s0, s23;
	[dreg:$0x7] =	wrdreg s7  }
0x13: {  	s17 =	sadd.s32 $0x2810, s10;
	s18 =	sadd.s32 $0x2820, s10;
	[dreg:$0x9] =	wrdreg s12  }
0x14: {  	s19 =	sadd.s32 $0x2830, s10;
	s20 =	simm.s32 $0x100;
	[dreg:$0xa] =	wrdreg s22  }
0x15: {  	s21 =	simm.s32 $0x200;
	s23 =	simm.s32 $0x9;
	[dreg:$0xb] =	wrdreg s4  }
.Ltmp0:
0x16: {  	s0 =	simm.s32 $0x8400;
	[dreg:$0xc] =	wrdreg s24;
	(pc) =	sbr.rel .LBB2_1-.Ltmp0, $4  }
0x17: {  	s8 =	simm.s32 $0x6;
	s11 =	simm.s32 $0x4;
	[dreg:$0xd] =	wrdreg s25  }
0x18: {  	s7 =	sadd.s32 $0x2000, s10;
	[dreg:$0xe] =	wrdreg s26;
	s22 =	simm.s32 $0x300  }
0x19: {  	s24 =	simm.s32 $0x80;
	s25 =	simm.s32 $0x180;
	s26 =	simm.s32 $0x280  }
0x1a: {  	s4 =	simm.s32 $0x1;
	s10 =	simm.s32 $0x7;
	s12 =	simm.s32 $0x8  }
.LBB2_4:
0x1b: {  	s13 =	sshrl.u32 s2, $0x3;
	s14 =	rddreg [dreg:$0x6]  }
0x1c: {  	s20 =	smov.u32 s17;
	s17 =	smov.u32 s15;
	s15 =	simm.s32 $0x1C49  }
0x1d: {  	[spmem:s13], [sflag:s15] =	dma.local [hbm:s14], $0x3E80  }
0x1e: {  	s15 =	smov.u32 s17;
	s17 =	smov.u32 s20;
	s20 =	simm.s32 $0x100  }
.LBB2_5:
0x1f: {  	_ =	swait.ge [sflag:s23], $0x3E80  }
0x20: {  	[sflag:s23] =	ssyncset.done $0x0  }
0x21: {  	[sflag:s23] =	ssyncadd.s32 $0xFFFFC180  }
.LBB2_6:
0x22: {  	[bflag:$0x0] =	sbarrier.arrive $0xFFFF  }
0x23: {  	[tilespmem:s30], [sflag:$0x1] =	stream.indirect.gather [spmem:s1], $0x40, s3, s24, $0xb8;
	[tilespmem:$0x12340] =	vst v63  }
0x24: {  	_ = 	snop  }
0x25: {  	[tilespmem:s31], [sflag:$0x2] =	stream.indirect.gather [spmem:s1], $0x40, s20, s24, $0xb8;
	[tilespmem:$0x12340] =	vst v63  }
0x26: {  	_ = 	snop  }
0x27: {  	[tilespmem:s0], [sflag:$0x3] =	stream.indirect.gather [spmem:s1], $0x40, s21, s24, $0xb8;
	[tilespmem:$0x12340] =	vst v63  }
0x28: {  	_ = 	snop  }
0x29: {  	[tilespmem:s29], [sflag:$0x4] =	stream.indirect.gather [spmem:s1], $0x40, s22, s24, $0xb8;
	[tilespmem:$0x12340] =	vst v63  }
0x2a: {  	_ =	swait.ge [sflag:s4], $0x2000  }
0x2b: {  	[sflag:s4] =	ssyncset.done $0x0  }
0x2c: {  	s13 =	rddreg [dreg:$0x8];
	[sflag:s4] =	ssyncadd.s32 $0xFFFFE000  }
0x2d: {  	[hbm4b:s13+s3] =	stream.linear.scatter [tilespmem:s30], [sflag:$0x5], $0x4000, $0x38;
	[tilespmem:$0x12340] =	vst v63  }
0x2e: {  	_ =	swait.ge [sflag:s5], $0x4000  }
0x2f: {  	[sflag:s5] =	ssyncset.done $0x0  }
0x30: {  	[sflag:s5] =	ssyncadd.s32 $0xFFFFC000  }
0x31: {  	[tilespmem:s30], [sflag:$0x1] =	stream.indirect.gather [spmem:s2], $0x40, s24, s24, $0xb8;
	[tilespmem:$0x12340] =	vst v63  }
0x32: {  	_ =	swait.ge [sflag:s6], $0x2000  }
0x33: {  	[sflag:s6] =	ssyncset.done $0x0  }
0x34: {  	s14 =	rddreg [dreg:$0x9];
	[sflag:s6] =	ssyncadd.s32 $0xFFFFE000  }
0x35: {  	[hbm4b:s14+s3] =	stream.linear.scatter [tilespmem:s31], [sflag:$0x6], $0x4000, $0x38;
	[tilespmem:$0x12340] =	vst v63  }
0x36: {  	_ =	swait.ge [sflag:s8], $0x4000  }
0x37: {  	[sflag:s8] =	ssyncset.done $0x0  }
0x38: {  	[sflag:s8] =	ssyncadd.s32 $0xFFFFC000  }
0x39: {  	[tilespmem:s31], [sflag:$0x2] =	stream.indirect.gather [spmem:s2], $0x40, s25, s24, $0xb8;
	[tilespmem:$0x12340] =	vst v63  }
0x3a: {  	_ =	swait.ge [sflag:s9], $0x2000  }
0x3b: {  	[sflag:s9] =	ssyncset.done $0x0  }
0x3c: {  	s14 =	rddreg [dreg:$0xa];
	[sflag:s9] =	ssyncadd.s32 $0xFFFFE000  }
0x3d: {  	[hbm4b:s14+s3] =	stream.linear.scatter [tilespmem:s0], [sflag:$0x7], $0x4000, $0x38;
	[tilespmem:$0x12340] =	vst v63  }
0x3e: {  	_ =	swait.ge [sflag:s10], $0x4000  }
0x3f: {  	[sflag:s10] =	ssyncset.done $0x0  }
0x40: {  	[sflag:s10] =	ssyncadd.s32 $0xFFFFC000  }
0x41: {  	[tilespmem:s0], [sflag:$0x3] =	stream.indirect.gather [spmem:s2], $0x40, s26, s24, $0xb8;
	[tilespmem:$0x12340] =	vst v63  }
0x42: {  	_ =	swait.ge [sflag:s11], $0x2000  }
0x43: {  	[sflag:s11] =	ssyncset.done $0x0  }
0x44: {  	s14 =	rddreg [dreg:$0xb];
	[sflag:s11] =	ssyncadd.s32 $0xFFFFE000  }
0x45: {  	[hbm4b:s14+s3] =	stream.linear.scatter [tilespmem:s29], [sflag:$0x8], $0x4000, $0x38;
	[tilespmem:$0x12340] =	vst v63  }
0x46: {  	_ =	swait.ge [sflag:s12], $0x4000  }
0x47: {  	[sflag:s12] =	ssyncset.done $0x0  }
0x48: {  	[sflag:s12] =	ssyncadd.s32 $0xFFFFC000  }
0x49: {  	[tilespmem:s29], [sflag:$0x4] =	stream.indirect.gather [spmem:s2], $0x40, s28, s24, $0xb8;
	[tilespmem:$0x12340] =	vst v63  }
0x4a: {  	_ =	swait.ge [sflag:s4], $0x2000  }
0x4b: {  	[sflag:s4] =	ssyncset.done $0x0  }
0x4c: {  	s14 =	rddreg [dreg:$0xc];
	[sflag:s4] =	ssyncadd.s32 $0xFFFFE000  }
0x4d: {  	[hbm4b:s14+s3] =	stream.linear.scatter [tilespmem:s30], [sflag:$0x5], $0x4000, $0x38;
	[tilespmem:$0x12340] =	vst v63  }
0x4e: {  	_ =	swait.ge [sflag:s6], $0x2000  }
0x4f: {  	[sflag:s6] =	ssyncset.done $0x0  }
0x50: {  	s14 =	rddreg [dreg:$0xd];
	[sflag:s6] =	ssyncadd.s32 $0xFFFFE000  }
0x51: {  	[hbm4b:s14+s3] =	stream.linear.scatter [tilespmem:s31], [sflag:$0x6], $0x4000, $0x38;
	[tilespmem:$0x12340] =	vst v63  }
0x52: {  	_ =	swait.ge [sflag:s9], $0x2000  }
0x53: {  	[sflag:s9] =	ssyncset.done $0x0  }
0x54: {  	s14 =	rddreg [dreg:$0xe];
	[sflag:s9] =	ssyncadd.s32 $0xFFFFE000  }
0x55: {  	[hbm4b:s14+s3] =	stream.linear.scatter [tilespmem:s0], [sflag:$0x7], $0x4000, $0x38;
	[tilespmem:$0x12340] =	vst v63  }
0x56: {  	_ =	swait.ge [sflag:s11], $0x2000  }
0x57: {  	[sflag:s11] =	ssyncset.done $0x0  }
0x58: {  	[sflag:s11] =	ssyncadd.s32 $0xFFFFE000  }
0x59: {  	[hbm4b:s15+s3] =	stream.linear.scatter [tilespmem:s29], [sflag:$0x8], $0x4000, $0x38;
	[tilespmem:$0x12340] =	vst v63  }
0x5a: {  	_ =	swait.ge [sflag:s5], $0x4000  }
0x5b: {  	[sflag:s5] =	ssyncset.done $0x0  }
0x5c: {  	[sflag:s5] =	ssyncadd.s32 $0xFFFFC000  }
0x5d: {  	_ =	swait.ge [sflag:s8], $0x4000  }
0x5e: {  	[sflag:s8] =	ssyncset.done $0x0  }
0x5f: {  	s16 =	sadd.s32 $0xFFFFFFFF, s16;
	[sflag:s8] =	ssyncadd.s32 $0xFFFFC000  }
0x60: {  	p2 =	sne.s32 s16, $0x0;
	_ =	swait.ge [sflag:s10], $0x4000  }
.Ltmp1:
0x61: {  	[sflag:s10] =	ssyncset.done $0x0;
	(pc) =	sbr.rel @!p2 .LBB2_7-.Ltmp1, $4  }
0x62: {  	[sflag:s10] =	ssyncadd.s32 $0xFFFFC000  }
0x63: {  	_ =	swait.ge [sflag:s12], $0x4000  }
0x64: {  	[sflag:s12] =	ssyncset.done $0x0  }
0x65: {  	[sflag:s12] =	ssyncadd.s32 $0xFFFFC000  }
.LBB2_1:
0x66: {  	s13 =	rddreg [dreg:$0x7]  }
0x67: {  	[tilespmem:s3], [sflag:$0x9] =	stream.linear.gather [hbm4b:s13+s3], $0x80, $0x38;
	[tilespmem:$0x12340] =	vst v63  }
0x68: {  	_ = 	snop  }
0x69: {  	[tilespmem:s20], [sflag:$0x9] =	stream.linear.gather [hbm4b:s17+s3], $0x80, $0x38;
	[tilespmem:$0x12340] =	vst v63  }
0x6a: {  	_ = 	snop  }
0x6b: {  	[tilespmem:s21], [sflag:$0x9] =	stream.linear.gather [hbm4b:s18+s3], $0x80, $0x38;
	[tilespmem:$0x12340] =	vst v63  }
0x6c: {  	_ = 	snop  }
0x6d: {  	[tilespmem:s22], [sflag:$0x9] =	stream.linear.gather [hbm4b:s19+s3], $0x80, $0x38;
	[tilespmem:$0x12340] =	vst v63  }
0x6e: {  	_ =	swait.ge [sflag:s23], $0x200  }
0x6f: {  	[sflag:s23] =	ssyncset.done $0x0  }
0x70: {  	[sflag:s23] =	ssyncadd.s32 $0xFFFFFE00  }
0x71: {  	[tilespmem:s24], [sflag:$0x9] =	stream.linear.gather [hbm4b:s7+s3], $0x80, $0x38;
	[tilespmem:$0x12340] =	vst v63  }
0x72: {  	s14 =	sadd.s32 $0x10, s7  }
0x73: {  	[tilespmem:s25], [sflag:$0x9] =	stream.linear.gather [hbm4b:s14+s3], $0x80, $0x38;
	[tilespmem:$0x12340] =	vst v63  }
0x74: {  	s14 =	sadd.s32 $0x20, s7  }
0x75: {  	[tilespmem:s26], [sflag:$0x9] =	stream.linear.gather [hbm4b:s14+s3], $0x80, $0x38;
	[tilespmem:$0x12340] =	vst v63  }
.Ltmp2:
0x76: {  	s14 =	sadd.s32 $0x30, s7;
	(pc) =	sbr.rel @p1 .LBB2_4-.Ltmp2, $4  }
0x77: {  	[tilespmem:s28], [sflag:$0x9] =	stream.linear.gather [hbm4b:s14+s3], $0x80, $0x38;
	[tilespmem:$0x12340] =	vst v63  }
0x78: {  	_ =	swait.ge [sflag:s23], $0x200  }
0x79: {  	[sflag:s23] =	ssyncset.done $0x0  }
0x7a: {  	[sflag:s23] =	ssyncadd.s32 $0xFFFFFE00  }
.Ltmp3:
0x7b: {  	(pc) =	sbr.rel @p0 .LBB2_6-.Ltmp3, $1  }
0x7c: {  	_ =	sdelay $0x3  }
.Ltmp4:
0x7d: {  	(pc) =	sbr.rel .LBB2_5-.Ltmp4, $4  }
0x7e: {  	s13 =	sshrl.u32 s1, $0x3  }
0x7f: {  	s14 =	rddreg [dreg:$0x5];
	s21 =	smov.u32 s18;
	s18 =	simm.s32 $0x1C09  }
0x80: {  	[spmem:s13], [sflag:s18] =	dma.local [hbm:s14], $0x3E80  }
0x81: {  	s18 =	smov.u32 s21;
	s21 =	simm.s32 $0x200  }
.LBB2_7:
0x82: {  	_ =	sfence.sel $0x180000  }
0x83: {  	[bflag:$0x0] =	sbarrier.arrive $0xFFFF  }
0x84: {  	_ =	strace $0x90000047  }
0x85: {  	[bflag:$0x2] =	sbarrier.arrive $0xFFFF  }
0x86: {  	s0 =	rddreg [dreg:$0x4]  }
0x87: {  	s0 =	sadd.s32 @!p0 $0x100000, s0  }
0x88: {  	[sflag:s0] =	ssyncadd.tile.s32 @!p0 $0x1;
	_ =	shalt  }
.Lfunc_end2:
_tile_overlayer_lowered:
.L_overlay_start_2:
0x89: {  	(tag) =	ssettag $0x2  }
0x8a: {  	s0 =	rddreg [dreg:$0x0];
	s2 =	stileid.u32  }
0x8b: {  	s1 =	rddreg [dreg:$0x1];
	p0 =	sne.s32 s2, $0x0  }
0x8c: {  	s3 =	rddreg [dreg:$0x2];
	[bflag:$0x3] =	sbarrier.arrive $0xFFFF;
	s2 =	simm.s32 @!p0 $0x1C09  }
0x8d: {  	[timem:s3], [sflag:s2] =	dma.local @!p0 [hbm:s0], s1  }
0x8e: {  	s0 =	simm.s32 @!p0 $0x9  }
0x8f: {  	_ =	swait.ge @!p0 [sflag:s0], s1  }
0x90: {  	s1 =	ssub.s32 @!p0 $0x0, s1;
	[sflag:s0] =	ssyncset.done @!p0 $0x0  }
0x91: {  	[sflag:s0] =	ssyncadd.s32 @!p0 s1  }
0x92: {  	[bflag:$0x3] =	sbarrier.arrive $0xFFFF  }
0x93: {  	_ =	shalt  }

</sc_bundles>
